<compile_context>
chip_gen: v7x
topology: tpu7x:2x2x1
jax: 0.10.2.dev20260603
libtpu: 0.0.44.dev20260713+nightly
codegen_flags: <defaults>
</compile_context>

<pallas_src>
import functools

import numpy as np
import jax
import jax.numpy as jnp
from jax import lax
from jax.experimental import pallas as pl
from jax.experimental.pallas import tpu as pltpu
from jax.experimental.pallas import tpu_sc as plsc

VOCAB = 30522
EMBED = 128
HIDDEN = 64
NUM_CLASSES = 4
B = 4096
L = 200

LANES = 16
CH = (96, 104)
OFF = (0, 96)
WORDS = EMBED // 2
NGROUP = WORDS // LANES

_PERM = np.array(
    [(k % 2) * 64 + 16 * (k // 2) + j for k in range(8) for j in range(16)],
    dtype=np.int32,
)


def _make_pool_kernel():
    info = plsc.get_sparse_core_info()
    nw = info.num_cores * info.num_subcores
    rows_per_w = B // nw

    mesh = plsc.VectorSubcoreMesh(core_axis_name="c", subcore_axis_name="s")

    @functools.partial(
        pl.kernel,
        out_type=jax.ShapeDtypeStruct((B, EMBED), jnp.float32),
        mesh=mesh,
        scratch_types=[
            pltpu.VMEM((rows_per_w * L,), jnp.int32),
            pltpu.VMEM((2, max(CH), WORDS), jnp.uint32),
            pltpu.VMEM((rows_per_w, EMBED), jnp.float32),
            pltpu.SemaphoreType.DMA,
            pltpu.SemaphoreType.DMA,
        ],
        compiler_params=pltpu.CompilerParams(use_tc_tiling_on_sc=False),
    )
    def pool(ids_hbm, table_hbm, out_hbm, idx_v, rows_v, pooled_v,
             sem0, sem1):
        cid = lax.axis_index("c")
        sid = lax.axis_index("s")
        wid = sid * info.num_cores + cid

        n_ids = rows_per_w * L
        pltpu.sync_copy(ids_hbm.at[pl.ds(wid * n_ids, n_ids)], idx_v)

        sems = (sem0, sem1)
        shift = jnp.full((LANES,), 16, jnp.uint32)
        himask = jnp.full((LANES,), 0xFFFF0000, jnp.uint32)

        def fire(b, j, buf):
            pltpu.async_copy(
                table_hbm.at[idx_v.at[pl.ds(b * L + OFF[j], CH[j])]],
                rows_v.at[buf, pl.ds(0, CH[j])], sems[buf])

        def drain_reduce(buf, acc):
            pltpu.make_async_copy(
                table_hbm.at[idx_v.at[pl.ds(OFF[buf], CH[buf])]],
                rows_v.at[buf, pl.ds(0, CH[buf])], sems[buf]).wait()

            @plsc.parallel_loop(0, CH[buf], unroll=8, carry=acc)
            def red_body(l, acc):
                acc = list(acc)
                for c in range(NGROUP):
                    w = rows_v[buf, l, pl.ds(c * LANES, LANES)]
                    lo = lax.bitcast_convert_type(w << shift, jnp.float32)
                    hi = lax.bitcast_convert_type(w & himask, jnp.float32)
                    acc[2 * c] = acc[2 * c] + lo
                    acc[2 * c + 1] = acc[2 * c + 1] + hi
                return tuple(acc)

            return red_body

        zeros = (jnp.zeros((LANES,), jnp.float32),) * (2 * NGROUP)

        fire(0, 0, 0)

        def row_body(b, _):
            fire(b, 1, 1)
            acc = drain_reduce(0, zeros)
            fire(b + 1, 0, 0)
            acc = drain_reduce(1, acc)
            for k in range(2 * NGROUP):
                pooled_v[b, pl.ds(k * LANES, LANES)] = acc[k]
            return 0

        lax.fori_loop(0, rows_per_w - 1, row_body, 0)

        b_last = rows_per_w - 1
        fire(b_last, 1, 1)
        acc = drain_reduce(0, zeros)
        acc = drain_reduce(1, acc)
        for k in range(2 * NGROUP):
            pooled_v[b_last, pl.ds(k * LANES, LANES)] = acc[k]

        pltpu.sync_copy(pooled_v, out_hbm.at[pl.ds(wid * rows_per_w,
                                                   rows_per_w)])

    return pool


def _mlp_body(x_ref, w1_ref, b1_ref, w2_ref, b2_ref, o_ref):
    h = jnp.dot(x_ref[...], w1_ref[...], preferred_element_type=jnp.float32)
    h = jnp.maximum(h + b1_ref[...], 0.0)
    o = jnp.dot(h, w2_ref[...], preferred_element_type=jnp.float32)
    o_ref[...] = o + b2_ref[...]


@jax.jit
def kernel(input_ids, attention_mask, emb, W1, b1, W2, b2):
    del attention_mask
    ids2 = input_ids.astype(jnp.int32).reshape(B * L)
    u = lax.bitcast_convert_type(emb, jnp.uint32)
    rtne = lambda x: x + jnp.uint32(0x7FFF) + ((x >> 16) & jnp.uint32(1))
    table = ((rtne(u[:, :WORDS]) >> 16)
             | (rtne(u[:, WORDS:]) & jnp.uint32(0xFFFF0000)))
    pooled = _make_pool_kernel()(ids2, table)
    w1p = W1[jnp.asarray(_PERM)] * jnp.float32(1.0 / L)
    out = pl.pallas_call(
        _mlp_body,
        out_shape=jax.ShapeDtypeStruct((B, NUM_CLASSES), jnp.float32),
    )(pooled, w1p, b1.reshape(1, HIDDEN), W2, b2.reshape(1, NUM_CLASSES))
    return out

# --- scband reference (transcript-rebuilt; emitter-appended) ---
"""Pipeline reference for scband-dnnclassifier-34883724378190 (READ-ONLY COPY).

The authoritative reference and input builder live on the scoring server;
editing this copy changes nothing except your own understanding.
"""

import jax, jax.numpy as jnp
import numpy as np

VOCAB = 30522
EMBED = 128
HIDDEN = 64
NUM_CLASSES = 4
B = 4096
L = 200

def setup_inputs(seed: int = 0) -> dict:
    key = jax.random.key(seed)
    k0, k1, k2, k3, k4, k5 = jax.random.split(key, 6)
    input_ids = jax.random.randint(k0, (B, L), 0, VOCAB, dtype=jnp.int64) if jax.config.jax_enable_x64 else jax.random.randint(k0, (B, L), 0, VOCAB, dtype=jnp.int32)
    attention_mask = jnp.ones((B, L), dtype=jnp.float32)
    emb = jax.random.normal(k1, (VOCAB, EMBED), dtype=jnp.float32)
    emb = emb.at[0].set(0.0)  # padding_idx=0 row initialized to zeros (nn.Embedding padding_idx)
    W1 = jax.random.normal(k2, (EMBED, HIDDEN), dtype=jnp.float32) * (1.0 / np.sqrt(EMBED))
    b1 = jax.random.normal(k3, (HIDDEN,), dtype=jnp.float32) * 0.01
    W2 = jax.random.normal(k4, (HIDDEN, NUM_CLASSES), dtype=jnp.float32) * (1.0 / np.sqrt(HIDDEN))
    b2 = jax.random.normal(k5, (NUM_CLASSES,), dtype=jnp.float32) * 0.01
    return {"input_ids": input_ids, "attention_mask": attention_mask, "emb": emb, "W1": W1, "b1": b1, "W2": W2, "b2": b2}

def reference(input_ids, attention_mask, emb, W1, b1, W2, b2):
    # x = self.embedding(input_ids)
    x = jnp.take(emb, input_ids, axis=0)  # [B, L, EMBED]
    # x = x.mean(dim=1)
    x = x.mean(axis=1)  # [B, EMBED]
    # fc1 + relu
    x = x @ W1 + b1
    x = jax.nn.relu(x)
    # dropout: eval mode -> identity
    # fc2
    x = x @ W2 + b2
    return x

if __name__ == "__main__":
    import jax
    _d = setup_inputs()
    print(jax.jit(kernel)(*tuple(_d.values())))

</pallas_src>

<mosaic_0001>
#map = affine_map<(d0, d1) -> (0)>
#map1 = affine_map<(d0, d1) -> (0, 0)>
module attributes {stable_mosaic.version = 14 : i64} {
  func.func @pool(%arg0: i32, %arg1: i32, %arg2: memref<819200xi32, #tpu.memory_space<hbm>>, %arg3: memref<30522x64xi32, #tpu.memory_space<hbm>>, %arg4: memref<4096x128xf32, #tpu.memory_space<hbm>>, %arg5: memref<25600xi32, #tpu.memory_space<vmem>>, %arg6: memref<2x104x64xi32, #tpu.memory_space<vmem>>, %arg7: memref<128x128xf32, #tpu.memory_space<vmem>>, %arg8: memref<!tpu.dma_semaphore, #tpu.memory_space<semaphore_mem>>, %arg9: memref<!tpu.dma_semaphore, #tpu.memory_space<semaphore_mem>>) attributes {dimension_semantics = [#tpu.dimension_semantics<core_parallel>, #tpu.dimension_semantics<subcore_parallel>], iteration_bounds = array<i64: 2, 16>, scalar_prefetch = 0 : i64, scratch_operands = 5 : i64, tpu.core_type = #tpu.core_type<sc_vector_subcore>, window_params = [{transform_indices = #map}, {transform_indices = #map1}, {transform_indices = #map1}]} {
    %mul3A = arith.constant 2 : i32
    %mul3A_0 = arith.muli %arg1, %mul3A : i32
    %add3A = arith.addi %mul3A_0, %arg0 : i32
    %mul3A_1 = arith.constant 25600 : i32
    %mul3A_2 = arith.muli %add3A, %mul3A_1 : i32
    "tpu.region"() ({
      %run_scoped3A = tpu.sem_alloc : memref<!tpu.dma_semaphore, #tpu.memory_space<semaphore_mem>>
      %dma_start3A_108 = tpu.memref_slice %arg2[%mul3A_2] : memref<819200xi32, #tpu.memory_space<hbm>> -> memref<25600xi32, #tpu.memory_space<hbm>>
      %dma_start3A_109 = tpu.memref_slice %arg2[%mul3A_2] : memref<819200xi32, #tpu.memory_space<hbm>> -> memref<25600xi32, #tpu.memory_space<hbm>>
      tpu.enqueue_dma source(%dma_start3A_109 : memref<25600xi32, #tpu.memory_space<hbm>>) target(%arg5 : memref<25600xi32, #tpu.memory_space<vmem>>) target_semaphore(%run_scoped3A : memref<!tpu.dma_semaphore, #tpu.memory_space<semaphore_mem>>)
      %dma_wait3A_110 = tpu.memref_slice %arg2[%mul3A_2] : memref<819200xi32, #tpu.memory_space<hbm>> -> memref<25600xi32, #tpu.memory_space<hbm>>
      %dma_wait3A_111 = tpu.memref_slice %arg2[%mul3A_2] : memref<819200xi32, #tpu.memory_space<hbm>> -> memref<25600xi32, #tpu.memory_space<hbm>>
      tpu.wait_dma2 semaphore(%run_scoped3A : memref<!tpu.dma_semaphore, #tpu.memory_space<semaphore_mem>>) src(%dma_wait3A_111 : memref<25600xi32, #tpu.memory_space<hbm>>) dst(%arg5 : memref<25600xi32, #tpu.memory_space<vmem>>)
      tpu.yield
    }) : () -> ()
    %broadcast_in_dim3A = arith.constant 16 : i32
    %broadcast_in_dim3A_3 = vector.broadcast %broadcast_in_dim3A : i32 to vector<16xi32>
    %broadcast_in_dim3A_4 = arith.constant -65536 : i32
    %broadcast_in_dim3A_5 = vector.broadcast %broadcast_in_dim3A_4 : i32 to vector<16xi32>
    %broadcast_in_dim3A_6 = arith.constant 0.000000e+00 : f32
    %broadcast_in_dim3A_7 = vector.broadcast %broadcast_in_dim3A_6 : f32 to vector<16xf32>
    %dma_start3A = arith.constant 0 : i32
    %dma_start3A_8 = arith.constant 0 : i32
    %dma_start3A_9 = arith.constant 0 : i32
    %dma_start3A_10 = tpu.memref_slice %arg6[%dma_start3A, %dma_start3A_8, %dma_start3A_9] : memref<2x104x64xi32, #tpu.memory_space<vmem>> -> memref<1x96x64xi32, #tpu.memory_space<vmem>>
    %dma_start3A_11 = tpu.memref_squeeze %dma_start3A_10 : memref<1x96x64xi32, #tpu.memory_space<vmem>> -> memref<96x64xi32, #tpu.memory_space<vmem>>
    %dma_start3A_12 = arith.constant 0 : i32
    %dma_start3A_13 = tpu.memref_slice %arg5[%dma_start3A_12] : memref<25600xi32, #tpu.memory_space<vmem>> -> memref<96xi32, #tpu.memory_space<vmem>>
    %dma_start3A_14 = arith.constant 0 : i32
    %dma_start3A_15 = arith.constant 0 : i32
    %dma_start3A_16 = tpu.memref_slice %arg3[%dma_start3A_14, %dma_start3A_15] : memref<30522x64xi32, #tpu.memory_space<hbm>> -> memref<30522x64xi32, #tpu.memory_space<hbm>>
    tpu.enqueue_indirect_dma source(%dma_start3A_16 : memref<30522x64xi32, #tpu.memory_space<hbm>>) target(%dma_start3A_11 : memref<96x64xi32, #tpu.memory_space<vmem>>) offsets(%dma_start3A_13 : memref<96xi32, #tpu.memory_space<vmem>>) semaphore(%arg8 : memref<!tpu.dma_semaphore, #tpu.memory_space<semaphore_mem>>)
    %scan3A = arith.constant 0 : i32
    %scan3A_17 = arith.constant 0 : i32
    %scan3A_18 = arith.constant 127 : i32
    %scan3A_19 = arith.addi %scan3A_17, %scan3A_18 : i32
    %scan3A_20 = arith.constant 1 : i32
    %scan3A_21 = scf.for %scan3A_108 = %scan3A_17 to %scan3A_19 step %scan3A_20 iter_args(%scan3A_109 = %scan3A) -> (i32)  : i32 {
      %mul3A_110 = arith.constant 200 : i32
      %mul3A_111 = arith.muli %scan3A_108, %mul3A_110 : i32
      %add3A_112 = arith.constant 96 : i32
      %add3A_113 = arith.addi %mul3A_111, %add3A_112 : i32
      %dma_start3A_114 = arith.constant 1 : i32
      %dma_start3A_115 = arith.constant 0 : i32
      %dma_start3A_116 = arith.constant 0 : i32
      %dma_start3A_117 = tpu.memref_slice %arg6[%dma_start3A_114, %dma_start3A_115, %dma_start3A_116] : memref<2x104x64xi32, #tpu.memory_space<vmem>> -> memref<1x104x64xi32, #tpu.memory_space<vmem>>
      %dma_start3A_118 = tpu.memref_squeeze %dma_start3A_117 : memref<1x104x64xi32, #tpu.memory_space<vmem>> -> memref<104x64xi32, #tpu.memory_space<vmem>>
      %dma_start3A_119 = tpu.memref_slice %arg5[%add3A_113] : memref<25600xi32, #tpu.memory_space<vmem>> -> memref<104xi32, #tpu.memory_space<vmem>>
      %dma_start3A_120 = arith.constant 0 : i32
      %dma_start3A_121 = arith.constant 0 : i32
      %dma_start3A_122 = tpu.memref_slice %arg3[%dma_start3A_120, %dma_start3A_121] : memref<30522x64xi32, #tpu.memory_space<hbm>> -> memref<30522x64xi32, #tpu.memory_space<hbm>>
      tpu.enqueue_indirect_dma source(%dma_start3A_122 : memref<30522x64xi32, #tpu.memory_space<hbm>>) target(%dma_start3A_118 : memref<104x64xi32, #tpu.memory_space<vmem>>) offsets(%dma_start3A_119 : memref<104xi32, #tpu.memory_space<vmem>>) semaphore(%arg9 : memref<!tpu.dma_semaphore, #tpu.memory_space<semaphore_mem>>)
      %dma_wait3A_123 = arith.constant 0 : i32
      %dma_wait3A_124 = arith.constant 0 : i32
      %dma_wait3A_125 = arith.constant 0 : i32
      %dma_wait3A_126 = tpu.memref_slice %arg6[%dma_wait3A_123, %dma_wait3A_124, %dma_wait3A_125] : memref<2x104x64xi32, #tpu.memory_space<vmem>> -> memref<1x96x64xi32, #tpu.memory_space<vmem>>
      %dma_wait3A_127 = tpu.memref_squeeze %dma_wait3A_126 : memref<1x96x64xi32, #tpu.memory_space<vmem>> -> memref<96x64xi32, #tpu.memory_space<vmem>>
      %dma_wait3A_128 = arith.constant 0 : i32
      %dma_wait3A_129 = tpu.memref_slice %arg5[%dma_wait3A_128] : memref<25600xi32, #tpu.memory_space<vmem>> -> memref<96xi32, #tpu.memory_space<vmem>>
      %dma_wait3A_130 = arith.constant 0 : i32
      %dma_wait3A_131 = arith.constant 0 : i32
      %dma_wait3A_132 = tpu.memref_slice %arg3[%dma_wait3A_130, %dma_wait3A_131] : memref<30522x64xi32, #tpu.memory_space<hbm>> -> memref<30522x64xi32, #tpu.memory_space<hbm>>
      tpu.wait_indirect_dma semaphore(%arg8 : memref<!tpu.dma_semaphore, #tpu.memory_space<semaphore_mem>>) src(%dma_wait3A_132 : memref<30522x64xi32, #tpu.memory_space<hbm>>) dst(%dma_wait3A_127 : memref<96x64xi32, #tpu.memory_space<vmem>>)
      %parallel_loop3A_133 = arith.constant 0 : i32
      %parallel_loop3A_134 = arith.constant 96 : i32
      %parallel_loop3A_135 = arith.constant 1 : i32
      %parallel_loop3A_136:8 = scf.for %parallel_loop3A_207 = %parallel_loop3A_133 to %parallel_loop3A_134 step %parallel_loop3A_135 iter_args(%parallel_loop3A_208 = %broadcast_in_dim3A_7, %parallel_loop3A_209 = %broadcast_in_dim3A_7, %parallel_loop3A_210 = %broadcast_in_dim3A_7, %parallel_loop3A_211 = %broadcast_in_dim3A_7, %parallel_loop3A_212 = %broadcast_in_dim3A_7, %parallel_loop3A_213 = %broadcast_in_dim3A_7, %parallel_loop3A_214 = %broadcast_in_dim3A_7, %parallel_loop3A_215 = %broadcast_in_dim3A_7) -> (vector<16xf32>, vector<16xf32>, vector<16xf32>, vector<16xf32>, vector<16xf32>, vector<16xf32>, vector<16xf32>, vector<16xf32>)  : i32 {
        %parallel_loop3A_216 = arith.constant 0 : i32
        %parallel_loop3A_217 = arith.index_cast %parallel_loop3A_216 : i32 to index
        %parallel_loop3A_218 = arith.index_cast %parallel_loop3A_207 : i32 to index
        %parallel_loop3A_219 = arith.constant 0 : index
        %parallel_loop3A_220 = tpu.vector_load %arg6[%parallel_loop3A_217, %parallel_loop3A_218, %parallel_loop3A_219] {strides = array<i32>} : memref<2x104x64xi32, #tpu.memory_space<vmem>>, vector<1x1x16xi32>,
        %parallel_loop3A_221 = vector.shape_cast %parallel_loop3A_220 : vector<1x1x16xi32> to vector<16xi32>
        %parallel_loop3A_222 = arith.shli %parallel_loop3A_221, %broadcast_in_dim3A_3 : vector<16xi32>
        %parallel_loop3A_223 = tpu.bitcast %parallel_loop3A_222 : vector<16xi32> -> vector<16xf32>
        %parallel_loop3A_224 = arith.andi %parallel_loop3A_221, %broadcast_in_dim3A_5 : vector<16xi32>
        %parallel_loop3A_225 = tpu.bitcast %parallel_loop3A_224 : vector<16xi32> -> vector<16xf32>
        %parallel_loop3A_226 = arith.addf %parallel_loop3A_208, %parallel_loop3A_223 : vector<16xf32>
        %parallel_loop3A_227 = arith.addf %parallel_loop3A_209, %parallel_loop3A_225 : vector<16xf32>
        %parallel_loop3A_228 = arith.constant 0 : i32
        %parallel_loop3A_229 = arith.index_cast %parallel_loop3A_228 : i32 to index
        %parallel_loop3A_230 = arith.index_cast %parallel_loop3A_207 : i32 to index
        %parallel_loop3A_231 = arith.constant 16 : index
        %parallel_loop3A_232 = tpu.vector_load %arg6[%parallel_loop3A_229, %parallel_loop3A_230, %parallel_loop3A_231] {strides = array<i32>} : memref<2x104x64xi32, #tpu.memory_space<vmem>>, vector<1x1x16xi32>,
        %parallel_loop3A_233 = vector.shape_cast %parallel_loop3A_232 : vector<1x1x16xi32> to vector<16xi32>
        %parallel_loop3A_234 = arith.shli %parallel_loop3A_233, %broadcast_in_dim3A_3 : vector<16xi32>
        %parallel_loop3A_235 = tpu.bitcast %parallel_loop3A_234 : vector<16xi32> -> vector<16xf32>
        %parallel_loop3A_236 = arith.andi %parallel_loop3A_233, %broadcast_in_dim3A_5 : vector<16xi32>
        %parallel_loop3A_237 = tpu.bitcast %parallel_loop3A_236 : vector<16xi32> -> vector<16xf32>
        %parallel_loop3A_238 = arith.addf %parallel_loop3A_210, %parallel_loop3A_235 : vector<16xf32>
        %parallel_loop3A_239 = arith.addf %parallel_loop3A_211, %parallel_loop3A_237 : vector<16xf32>
        %parallel_loop3A_240 = arith.constant 0 : i32
        %parallel_loop3A_241 = arith.index_cast %parallel_loop3A_240 : i32 to index
        %parallel_loop3A_242 = arith.index_cast %parallel_loop3A_207 : i32 to index
        %parallel_loop3A_243 = arith.constant 32 : index
        %parallel_loop3A_244 = tpu.vector_load %arg6[%parallel_loop3A_241, %parallel_loop3A_242, %parallel_loop3A_243] {strides = array<i32>} : memref<2x104x64xi32, #tpu.memory_space<vmem>>, vector<1x1x16xi32>,
        %parallel_loop3A_245 = vector.shape_cast %parallel_loop3A_244 : vector<1x1x16xi32> to vector<16xi32>
        %parallel_loop3A_246 = arith.shli %parallel_loop3A_245, %broadcast_in_dim3A_3 : vector<16xi32>
        %parallel_loop3A_247 = tpu.bitcast %parallel_loop3A_246 : vector<16xi32> -> vector<16xf32>
        %parallel_loop3A_248 = arith.andi %parallel_loop3A_245, %broadcast_in_dim3A_5 : vector<16xi32>
        %parallel_loop3A_249 = tpu.bitcast %parallel_loop3A_248 : vector<16xi32> -> vector<16xf32>
        %parallel_loop3A_250 = arith.addf %parallel_loop3A_212, %parallel_loop3A_247 : vector<16xf32>
        %parallel_loop3A_251 = arith.addf %parallel_loop3A_213, %parallel_loop3A_249 : vector<16xf32>
        %parallel_loop3A_252 = arith.constant 0 : i32
        %parallel_loop3A_253 = arith.index_cast %parallel_loop3A_252 : i32 to index
        %parallel_loop3A_254 = arith.index_cast %parallel_loop3A_207 : i32 to index
        %parallel_loop3A_255 = arith.constant 48 : index
        %parallel_loop3A_256 = tpu.vector_load %arg6[%parallel_loop3A_253, %parallel_loop3A_254, %parallel_loop3A_255] {strides = array<i32>} : memref<2x104x64xi32, #tpu.memory_space<vmem>>, vector<1x1x16xi32>,
        %parallel_loop3A_257 = vector.shape_cast %parallel_loop3A_256 : vector<1x1x16xi32> to vector<16xi32>
        %parallel_loop3A_258 = arith.shli %parallel_loop3A_257, %broadcast_in_dim3A_3 : vector<16xi32>
        %parallel_loop3A_259 = tpu.bitcast %parallel_loop3A_258 : vector<16xi32> -> vector<16xf32>
        %parallel_loop3A_260 = arith.andi %parallel_loop3A_257, %broadcast_in_dim3A_5 : vector<16xi32>
        %parallel_loop3A_261 = tpu.bitcast %parallel_loop3A_260 : vector<16xi32> -> vector<16xf32>
        %parallel_loop3A_262 = arith.addf %parallel_loop3A_214, %parallel_loop3A_259 : vector<16xf32>
        %parallel_loop3A_263 = arith.addf %parallel_loop3A_215, %parallel_loop3A_261 : vector<16xf32>
        scf.yield %parallel_loop3A_226, %parallel_loop3A_227, %parallel_loop3A_238, %parallel_loop3A_239, %parallel_loop3A_250, %parallel_loop3A_251, %parallel_loop3A_262, %parallel_loop3A_263 : vector<16xf32>, vector<16xf32>, vector<16xf32>, vector<16xf32>, vector<16xf32>, vector<16xf32>, vector<16xf32>, vector<16xf32>
      } {sc.loop_unroll_factor = 8 : i64, sc.parallel_access}
      %add3A_137 = arith.constant 1 : i32
      %add3A_138 = arith.addi %scan3A_108, %add3A_137 : i32
      %mul3A_139 = arith.constant 200 : i32
      %mul3A_140 = arith.muli %add3A_138, %mul3A_139 : i32
      %add3A_141 = arith.constant 0 : i32
      %add3A_142 = arith.addi %mul3A_140, %add3A_141 : i32
      %dma_start3A_143 = arith.constant 0 : i32
      %dma_start3A_144 = arith.constant 0 : i32
      %dma_start3A_145 = arith.constant 0 : i32
      %dma_start3A_146 = tpu.memref_slice %arg6[%dma_start3A_143, %dma_start3A_144, %dma_start3A_145] : memref<2x104x64xi32, #tpu.memory_space<vmem>> -> memref<1x96x64xi32, #tpu.memory_space<vmem>>
      %dma_start3A_147 = tpu.memref_squeeze %dma_start3A_146 : memref<1x96x64xi32, #tpu.memory_space<vmem>> -> memref<96x64xi32, #tpu.memory_space<vmem>>
      %dma_start3A_148 = tpu.memref_slice %arg5[%add3A_142] : memref<25600xi32, #tpu.memory_space<vmem>> -> memref<96xi32, #tpu.memory_space<vmem>>
      %dma_start3A_149 = arith.constant 0 : i32
      %dma_start3A_150 = arith.constant 0 : i32
      %dma_start3A_151 = tpu.memref_slice %arg3[%dma_start3A_149, %dma_start3A_150] : memref<30522x64xi32, #tpu.memory_space<hbm>> -> memref<30522x64xi32, #tpu.memory_space<hbm>>
      tpu.enqueue_indirect_dma source(%dma_start3A_151 : memref<30522x64xi32, #tpu.memory_space<hbm>>) target(%dma_start3A_147 : memref<96x64xi32, #tpu.memory_space<vmem>>) offsets(%dma_start3A_148 : memref<96xi32, #tpu.memory_space<vmem>>) semaphore(%arg8 : memref<!tpu.dma_semaphore, #tpu.memory_space<semaphore_mem>>)
      %dma_wait3A_152 = arith.constant 1 : i32
      %dma_wait3A_153 = arith.constant 0 : i32
      %dma_wait3A_154 = arith.constant 0 : i32
      %dma_wait3A_155 = tpu.memref_slice %arg6[%dma_wait3A_152, %dma_wait3A_153, %dma_wait3A_154] : memref<2x104x64xi32, #tpu.memory_space<vmem>> -> memref<1x104x64xi32, #tpu.memory_space<vmem>>
      %dma_wait3A_156 = tpu.memref_squeeze %dma_wait3A_155 : memref<1x104x64xi32, #tpu.memory_space<vmem>> -> memref<104x64xi32, #tpu.memory_space<vmem>>
      %dma_wait3A_157 = arith.constant 96 : i32
      %dma_wait3A_158 = tpu.memref_slice %arg5[%dma_wait3A_157] : memref<25600xi32, #tpu.memory_space<vmem>> -> memref<104xi32, #tpu.memory_space<vmem>>
      %dma_wait3A_159 = arith.constant 0 : i32
      %dma_wait3A_160 = arith.constant 0 : i32
      %dma_wait3A_161 = tpu.memref_slice %arg3[%dma_wait3A_159, %dma_wait3A_160] : memref<30522x64xi32, #tpu.memory_space<hbm>> -> memref<30522x64xi32, #tpu.memory_space<hbm>>
      tpu.wait_indirect_dma semaphore(%arg9 : memref<!tpu.dma_semaphore, #tpu.memory_space<semaphore_mem>>) src(%dma_wait3A_161 : memref<30522x64xi32, #tpu.memory_space<hbm>>) dst(%dma_wait3A_156 : memref<104x64xi32, #tpu.memory_space<vmem>>)
      %parallel_loop3A_162 = arith.constant 0 : i32
      %parallel_loop3A_163 = arith.constant 104 : i32
      %parallel_loop3A_164 = arith.constant 1 : i32
      %parallel_loop3A_165:8 = scf.for %parallel_loop3A_207 = %parallel_loop3A_162 to %parallel_loop3A_163 step %parallel_loop3A_164 iter_args(%parallel_loop3A_208 = %parallel_loop3A_136#0, %parallel_loop3A_209 = %parallel_loop3A_136#1, %parallel_loop3A_210 = %parallel_loop3A_136#2, %parallel_loop3A_211 = %parallel_loop3A_136#3, %parallel_loop3A_212 = %parallel_loop3A_136#4, %parallel_loop3A_213 = %parallel_loop3A_136#5, %parallel_loop3A_214 = %parallel_loop3A_136#6, %parallel_loop3A_215 = %parallel_loop3A_136#7) -> (vector<16xf32>, vector<16xf32>, vector<16xf32>, vector<16xf32>, vector<16xf32>, vector<16xf32>, vector<16xf32>, vector<16xf32>)  : i32 {
        %parallel_loop3A_216 = arith.constant 1 : i32
        %parallel_loop3A_217 = arith.index_cast %parallel_loop3A_216 : i32 to index
        %parallel_loop3A_218 = arith.index_cast %parallel_loop3A_207 : i32 to index
        %parallel_loop3A_219 = arith.constant 0 : index
        %parallel_loop3A_220 = tpu.vector_load %arg6[%parallel_loop3A_217, %parallel_loop3A_218, %parallel_loop3A_219] {strides = array<i32>} : memref<2x104x64xi32, #tpu.memory_space<vmem>>, vector<1x1x16xi32>,
        %parallel_loop3A_221 = vector.shape_cast %parallel_loop3A_220 : vector<1x1x16xi32> to vector<16xi32>
        %parallel_loop3A_222 = arith.shli %parallel_loop3A_221, %broadcast_in_dim3A_3 : vector<16xi32>
        %parallel_loop3A_223 = tpu.bitcast %parallel_loop3A_222 : vector<16xi32> -> vector<16xf32>
        %parallel_loop3A_224 = arith.andi %parallel_loop3A_221, %broadcast_in_dim3A_5 : vector<16xi32>
        %parallel_loop3A_225 = tpu.bitcast %parallel_loop3A_224 : vector<16xi32> -> vector<16xf32>
        %parallel_loop3A_226 = arith.addf %parallel_loop3A_208, %parallel_loop3A_223 : vector<16xf32>
        %parallel_loop3A_227 = arith.addf %parallel_loop3A_209, %parallel_loop3A_225 : vector<16xf32>
        %parallel_loop3A_228 = arith.constant 1 : i32
        %parallel_loop3A_229 = arith.index_cast %parallel_loop3A_228 : i32 to index
        %parallel_loop3A_230 = arith.index_cast %parallel_loop3A_207 : i32 to index
        %parallel_loop3A_231 = arith.constant 16 : index
        %parallel_loop3A_232 = tpu.vector_load %arg6[%parallel_loop3A_229, %parallel_loop3A_230, %parallel_loop3A_231] {strides = array<i32>} : memref<2x104x64xi32, #tpu.memory_space<vmem>>, vector<1x1x16xi32>,
        %parallel_loop3A_233 = vector.shape_cast %parallel_loop3A_232 : vector<1x1x16xi32> to vector<16xi32>
        %parallel_loop3A_234 = arith.shli %parallel_loop3A_233, %broadcast_in_dim3A_3 : vector<16xi32>
        %parallel_loop3A_235 = tpu.bitcast %parallel_loop3A_234 : vector<16xi32> -> vector<16xf32>
        %parallel_loop3A_236 = arith.andi %parallel_loop3A_233, %broadcast_in_dim3A_5 : vector<16xi32>
        %parallel_loop3A_237 = tpu.bitcast %parallel_loop3A_236 : vector<16xi32> -> vector<16xf32>
        %parallel_loop3A_238 = arith.addf %parallel_loop3A_210, %parallel_loop3A_235 : vector<16xf32>
        %parallel_loop3A_239 = arith.addf %parallel_loop3A_211, %parallel_loop3A_237 : vector<16xf32>
        %parallel_loop3A_240 = arith.constant 1 : i32
        %parallel_loop3A_241 = arith.index_cast %parallel_loop3A_240 : i32 to index
        %parallel_loop3A_242 = arith.index_cast %parallel_loop3A_207 : i32 to index
        %parallel_loop3A_243 = arith.constant 32 : index
        %parallel_loop3A_244 = tpu.vector_load %arg6[%parallel_loop3A_241, %parallel_loop3A_242, %parallel_loop3A_243] {strides = array<i32>} : memref<2x104x64xi32, #tpu.memory_space<vmem>>, vector<1x1x16xi32>,
        %parallel_loop3A_245 = vector.shape_cast %parallel_loop3A_244 : vector<1x1x16xi32> to vector<16xi32>
        %parallel_loop3A_246 = arith.shli %parallel_loop3A_245, %broadcast_in_dim3A_3 : vector<16xi32>
        %parallel_loop3A_247 = tpu.bitcast %parallel_loop3A_246 : vector<16xi32> -> vector<16xf32>
        %parallel_loop3A_248 = arith.andi %parallel_loop3A_245, %broadcast_in_dim3A_5 : vector<16xi32>
        %parallel_loop3A_249 = tpu.bitcast %parallel_loop3A_248 : vector<16xi32> -> vector<16xf32>
        %parallel_loop3A_250 = arith.addf %parallel_loop3A_212, %parallel_loop3A_247 : vector<16xf32>
        %parallel_loop3A_251 = arith.addf %parallel_loop3A_213, %parallel_loop3A_249 : vector<16xf32>
        %parallel_loop3A_252 = arith.constant 1 : i32
        %parallel_loop3A_253 = arith.index_cast %parallel_loop3A_252 : i32 to index
        %parallel_loop3A_254 = arith.index_cast %parallel_loop3A_207 : i32 to index
        %parallel_loop3A_255 = arith.constant 48 : index
        %parallel_loop3A_256 = tpu.vector_load %arg6[%parallel_loop3A_253, %parallel_loop3A_254, %parallel_loop3A_255] {strides = array<i32>} : memref<2x104x64xi32, #tpu.memory_space<vmem>>, vector<1x1x16xi32>,
        %parallel_loop3A_257 = vector.shape_cast %parallel_loop3A_256 : vector<1x1x16xi32> to vector<16xi32>
        %parallel_loop3A_258 = arith.shli %parallel_loop3A_257, %broadcast_in_dim3A_3 : vector<16xi32>
        %parallel_loop3A_259 = tpu.bitcast %parallel_loop3A_258 : vector<16xi32> -> vector<16xf32>
        %parallel_loop3A_260 = arith.andi %parallel_loop3A_257, %broadcast_in_dim3A_5 : vector<16xi32>
        %parallel_loop3A_261 = tpu.bitcast %parallel_loop3A_260 : vector<16xi32> -> vector<16xf32>
        %parallel_loop3A_262 = arith.addf %parallel_loop3A_214, %parallel_loop3A_259 : vector<16xf32>
        %parallel_loop3A_263 = arith.addf %parallel_loop3A_215, %parallel_loop3A_261 : vector<16xf32>
        scf.yield %parallel_loop3A_226, %parallel_loop3A_227, %parallel_loop3A_238, %parallel_loop3A_239, %parallel_loop3A_250, %parallel_loop3A_251, %parallel_loop3A_262, %parallel_loop3A_263 : vector<16xf32>, vector<16xf32>, vector<16xf32>, vector<16xf32>, vector<16xf32>, vector<16xf32>, vector<16xf32>, vector<16xf32>
      } {sc.loop_unroll_factor = 8 : i64, sc.parallel_access}
      %swap3A_166 = arith.index_cast %scan3A_108 : i32 to index
      %swap3A_167 = arith.constant 0 : index
      %swap3A_168 = tpu.vector_load %arg7[%swap3A_166, %swap3A_167] {strides = array<i32>} : memref<128x128xf32, #tpu.memory_space<vmem>>, vector<1x16xf32>,
      %swap3A_169 = vector.shape_cast %swap3A_168 : vector<1x16xf32> to vector<16xf32>
      %swap3A_170 = vector.shape_cast %parallel_loop3A_165#0 : vector<16xf32> to vector<1x16xf32>
      tpu.vector_store %arg7[%swap3A_166, %swap3A_167], %swap3A_170 {strides = array<i32>} : memref<128x128xf32, #tpu.memory_space<vmem>>, vector<1x16xf32>,
      %swap3A_171 = arith.index_cast %scan3A_108 : i32 to index
      %swap3A_172 = arith.constant 16 : index
      %swap3A_173 = tpu.vector_load %arg7[%swap3A_171, %swap3A_172] {strides = array<i32>} : memref<128x128xf32, #tpu.memory_space<vmem>>, vector<1x16xf32>,
      %swap3A_174 = vector.shape_cast %swap3A_173 : vector<1x16xf32> to vector<16xf32>
      %swap3A_175 = vector.shape_cast %parallel_loop3A_165#1 : vector<16xf32> to vector<1x16xf32>
      tpu.vector_store %arg7[%swap3A_171, %swap3A_172], %swap3A_175 {strides = array<i32>} : memref<128x128xf32, #tpu.memory_space<vmem>>, vector<1x16xf32>,
      %swap3A_176 = arith.index_cast %scan3A_108 : i32 to index
      %swap3A_177 = arith.constant 32 : index
      %swap3A_178 = tpu.vector_load %arg7[%swap3A_176, %swap3A_177] {strides = array<i32>} : memref<128x128xf32, #tpu.memory_space<vmem>>, vector<1x16xf32>,
      %swap3A_179 = vector.shape_cast %swap3A_178 : vector<1x16xf32> to vector<16xf32>
      %swap3A_180 = vector.shape_cast %parallel_loop3A_165#2 : vector<16xf32> to vector<1x16xf32>
      tpu.vector_store %arg7[%swap3A_176, %swap3A_177], %swap3A_180 {strides = array<i32>} : memref<128x128xf32, #tpu.memory_space<vmem>>, vector<1x16xf32>,
      %swap3A_181 = arith.index_cast %scan3A_108 : i32 to index
      %swap3A_182 = arith.constant 48 : index
      %swap3A_183 = tpu.vector_load %arg7[%swap3A_181, %swap3A_182] {strides = array<i32>} : memref<128x128xf32, #tpu.memory_space<vmem>>, vector<1x16xf32>,
      %swap3A_184 = vector.shape_cast %swap3A_183 : vector<1x16xf32> to vector<16xf32>
      %swap3A_185 = vector.shape_cast %parallel_loop3A_165#3 : vector<16xf32> to vector<1x16xf32>
      tpu.vector_store %arg7[%swap3A_181, %swap3A_182], %swap3A_185 {strides = array<i32>} : memref<128x128xf32, #tpu.memory_space<vmem>>, vector<1x16xf32>,
      %swap3A_186 = arith.index_cast %scan3A_108 : i32 to index
      %swap3A_187 = arith.constant 64 : index
      %swap3A_188 = tpu.vector_load %arg7[%swap3A_186, %swap3A_187] {strides = array<i32>} : memref<128x128xf32, #tpu.memory_space<vmem>>, vector<1x16xf32>,
      %swap3A_189 = vector.shape_cast %swap3A_188 : vector<1x16xf32> to vector<16xf32>
      %swap3A_190 = vector.shape_cast %parallel_loop3A_165#4 : vector<16xf32> to vector<1x16xf32>
      tpu.vector_store %arg7[%swap3A_186, %swap3A_187], %swap3A_190 {strides = array<i32>} : memref<128x128xf32, #tpu.memory_space<vmem>>, vector<1x16xf32>,
      %swap3A_191 = arith.index_cast %scan3A_108 : i32 to index
      %swap3A_192 = arith.constant 80 : index
      %swap3A_193 = tpu.vector_load %arg7[%swap3A_191, %swap3A_192] {strides = array<i32>} : memref<128x128xf32, #tpu.memory_space<vmem>>, vector<1x16xf32>,
      %swap3A_194 = vector.shape_cast %swap3A_193 : vector<1x16xf32> to vector<16xf32>
      %swap3A_195 = vector.shape_cast %parallel_loop3A_165#5 : vector<16xf32> to vector<1x16xf32>
      tpu.vector_store %arg7[%swap3A_191, %swap3A_192], %swap3A_195 {strides = array<i32>} : memref<128x128xf32, #tpu.memory_space<vmem>>, vector<1x16xf32>,
      %swap3A_196 = arith.index_cast %scan3A_108 : i32 to index
      %swap3A_197 = arith.constant 96 : index
      %swap3A_198 = tpu.vector_load %arg7[%swap3A_196, %swap3A_197] {strides = array<i32>} : memref<128x128xf32, #tpu.memory_space<vmem>>, vector<1x16xf32>,
      %swap3A_199 = vector.shape_cast %swap3A_198 : vector<1x16xf32> to vector<16xf32>
      %swap3A_200 = vector.shape_cast %parallel_loop3A_165#6 : vector<16xf32> to vector<1x16xf32>
      tpu.vector_store %arg7[%swap3A_196, %swap3A_197], %swap3A_200 {strides = array<i32>} : memref<128x128xf32, #tpu.memory_space<vmem>>, vector<1x16xf32>,
      %swap3A_201 = arith.index_cast %scan3A_108 : i32 to index
      %swap3A_202 = arith.constant 112 : index
      %swap3A_203 = tpu.vector_load %arg7[%swap3A_201, %swap3A_202] {strides = array<i32>} : memref<128x128xf32, #tpu.memory_space<vmem>>, vector<1x16xf32>,
      %swap3A_204 = vector.shape_cast %swap3A_203 : vector<1x16xf32> to vector<16xf32>
      %swap3A_205 = vector.shape_cast %parallel_loop3A_165#7 : vector<16xf32> to vector<1x16xf32>
      tpu.vector_store %arg7[%swap3A_201, %swap3A_202], %swap3A_205 {strides = array<i32>} : memref<128x128xf32, #tpu.memory_space<vmem>>, vector<1x16xf32>,
      %scan3A_206 = arith.constant 0 : i32
      scf.yield %scan3A_206 : i32
    }
    %scan3A_22 = arith.constant 127 : i32
    %dma_start3A_23 = arith.constant 1 : i32
    %dma_start3A_24 = arith.constant 0 : i32
    %dma_start3A_25 = arith.constant 0 : i32
    %dma_start3A_26 = tpu.memref_slice %arg6[%dma_start3A_23, %dma_start3A_24, %dma_start3A_25] : memref<2x104x64xi32, #tpu.memory_space<vmem>> -> memref<1x104x64xi32, #tpu.memory_space<vmem>>
    %dma_start3A_27 = tpu.memref_squeeze %dma_start3A_26 : memref<1x104x64xi32, #tpu.memory_space<vmem>> -> memref<104x64xi32, #tpu.memory_space<vmem>>
    %dma_start3A_28 = arith.constant 25496 : i32
    %dma_start3A_29 = tpu.memref_slice %arg5[%dma_start3A_28] : memref<25600xi32, #tpu.memory_space<vmem>> -> memref<104xi32, #tpu.memory_space<vmem>>
    %dma_start3A_30 = arith.constant 0 : i32
    %dma_start3A_31 = arith.constant 0 : i32
    %dma_start3A_32 = tpu.memref_slice %arg3[%dma_start3A_30, %dma_start3A_31] : memref<30522x64xi32, #tpu.memory_space<hbm>> -> memref<30522x64xi32, #tpu.memory_space<hbm>>
    tpu.enqueue_indirect_dma source(%dma_start3A_32 : memref<30522x64xi32, #tpu.memory_space<hbm>>) target(%dma_start3A_27 : memref<104x64xi32, #tpu.memory_space<vmem>>) offsets(%dma_start3A_29 : memref<104xi32, #tpu.memory_space<vmem>>) semaphore(%arg9 : memref<!tpu.dma_semaphore, #tpu.memory_space<semaphore_mem>>)
    %dma_wait3A = arith.constant 0 : i32
    %dma_wait3A_33 = arith.constant 0 : i32
    %dma_wait3A_34 = arith.constant 0 : i32
    %dma_wait3A_35 = tpu.memref_slice %arg6[%dma_wait3A, %dma_wait3A_33, %dma_wait3A_34] : memref<2x104x64xi32, #tpu.memory_space<vmem>> -> memref<1x96x64xi32, #tpu.memory_space<vmem>>
    %dma_wait3A_36 = tpu.memref_squeeze %dma_wait3A_35 : memref<1x96x64xi32, #tpu.memory_space<vmem>> -> memref<96x64xi32, #tpu.memory_space<vmem>>
    %dma_wait3A_37 = arith.constant 0 : i32
    %dma_wait3A_38 = tpu.memref_slice %arg5[%dma_wait3A_37] : memref<25600xi32, #tpu.memory_space<vmem>> -> memref<96xi32, #tpu.memory_space<vmem>>
    %dma_wait3A_39 = arith.constant 0 : i32
    %dma_wait3A_40 = arith.constant 0 : i32
    %dma_wait3A_41 = tpu.memref_slice %arg3[%dma_wait3A_39, %dma_wait3A_40] : memref<30522x64xi32, #tpu.memory_space<hbm>> -> memref<30522x64xi32, #tpu.memory_space<hbm>>
    tpu.wait_indirect_dma semaphore(%arg8 : memref<!tpu.dma_semaphore, #tpu.memory_space<semaphore_mem>>) src(%dma_wait3A_41 : memref<30522x64xi32, #tpu.memory_space<hbm>>) dst(%dma_wait3A_36 : memref<96x64xi32, #tpu.memory_space<vmem>>)
    %parallel_loop3A = arith.constant 0 : i32
    %parallel_loop3A_42 = arith.constant 96 : i32
    %parallel_loop3A_43 = arith.constant 1 : i32
    %parallel_loop3A_44:8 = scf.for %parallel_loop3A_108 = %parallel_loop3A to %parallel_loop3A_42 step %parallel_loop3A_43 iter_args(%parallel_loop3A_109 = %broadcast_in_dim3A_7, %parallel_loop3A_110 = %broadcast_in_dim3A_7, %parallel_loop3A_111 = %broadcast_in_dim3A_7, %parallel_loop3A_112 = %broadcast_in_dim3A_7, %parallel_loop3A_113 = %broadcast_in_dim3A_7, %parallel_loop3A_114 = %broadcast_in_dim3A_7, %parallel_loop3A_115 = %broadcast_in_dim3A_7, %parallel_loop3A_116 = %broadcast_in_dim3A_7) -> (vector<16xf32>, vector<16xf32>, vector<16xf32>, vector<16xf32>, vector<16xf32>, vector<16xf32>, vector<16xf32>, vector<16xf32>)  : i32 {
      %parallel_loop3A_117 = arith.constant 0 : i32
      %parallel_loop3A_118 = arith.index_cast %parallel_loop3A_117 : i32 to index
      %parallel_loop3A_119 = arith.index_cast %parallel_loop3A_108 : i32 to index
      %parallel_loop3A_120 = arith.constant 0 : index
      %parallel_loop3A_121 = tpu.vector_load %arg6[%parallel_loop3A_118, %parallel_loop3A_119, %parallel_loop3A_120] {strides = array<i32>} : memref<2x104x64xi32, #tpu.memory_space<vmem>>, vector<1x1x16xi32>,
      %parallel_loop3A_122 = vector.shape_cast %parallel_loop3A_121 : vector<1x1x16xi32> to vector<16xi32>
      %parallel_loop3A_123 = arith.shli %parallel_loop3A_122, %broadcast_in_dim3A_3 : vector<16xi32>
      %parallel_loop3A_124 = tpu.bitcast %parallel_loop3A_123 : vector<16xi32> -> vector<16xf32>
      %parallel_loop3A_125 = arith.andi %parallel_loop3A_122, %broadcast_in_dim3A_5 : vector<16xi32>
      %parallel_loop3A_126 = tpu.bitcast %parallel_loop3A_125 : vector<16xi32> -> vector<16xf32>
      %parallel_loop3A_127 = arith.addf %parallel_loop3A_109, %parallel_loop3A_124 : vector<16xf32>
      %parallel_loop3A_128 = arith.addf %parallel_loop3A_110, %parallel_loop3A_126 : vector<16xf32>
      %parallel_loop3A_129 = arith.constant 0 : i32
      %parallel_loop3A_130 = arith.index_cast %parallel_loop3A_129 : i32 to index
      %parallel_loop3A_131 = arith.index_cast %parallel_loop3A_108 : i32 to index
      %parallel_loop3A_132 = arith.constant 16 : index
      %parallel_loop3A_133 = tpu.vector_load %arg6[%parallel_loop3A_130, %parallel_loop3A_131, %parallel_loop3A_132] {strides = array<i32>} : memref<2x104x64xi32, #tpu.memory_space<vmem>>, vector<1x1x16xi32>,
      %parallel_loop3A_134 = vector.shape_cast %parallel_loop3A_133 : vector<1x1x16xi32> to vector<16xi32>
      %parallel_loop3A_135 = arith.shli %parallel_loop3A_134, %broadcast_in_dim3A_3 : vector<16xi32>
      %parallel_loop3A_136 = tpu.bitcast %parallel_loop3A_135 : vector<16xi32> -> vector<16xf32>
      %parallel_loop3A_137 = arith.andi %parallel_loop3A_134, %broadcast_in_dim3A_5 : vector<16xi32>
      %parallel_loop3A_138 = tpu.bitcast %parallel_loop3A_137 : vector<16xi32> -> vector<16xf32>
      %parallel_loop3A_139 = arith.addf %parallel_loop3A_111, %parallel_loop3A_136 : vector<16xf32>
      %parallel_loop3A_140 = arith.addf %parallel_loop3A_112, %parallel_loop3A_138 : vector<16xf32>
      %parallel_loop3A_141 = arith.constant 0 : i32
      %parallel_loop3A_142 = arith.index_cast %parallel_loop3A_141 : i32 to index
      %parallel_loop3A_143 = arith.index_cast %parallel_loop3A_108 : i32 to index
      %parallel_loop3A_144 = arith.constant 32 : index
      %parallel_loop3A_145 = tpu.vector_load %arg6[%parallel_loop3A_142, %parallel_loop3A_143, %parallel_loop3A_144] {strides = array<i32>} : memref<2x104x64xi32, #tpu.memory_space<vmem>>, vector<1x1x16xi32>,
      %parallel_loop3A_146 = vector.shape_cast %parallel_loop3A_145 : vector<1x1x16xi32> to vector<16xi32>
      %parallel_loop3A_147 = arith.shli %parallel_loop3A_146, %broadcast_in_dim3A_3 : vector<16xi32>
      %parallel_loop3A_148 = tpu.bitcast %parallel_loop3A_147 : vector<16xi32> -> vector<16xf32>
      %parallel_loop3A_149 = arith.andi %parallel_loop3A_146, %broadcast_in_dim3A_5 : vector<16xi32>
      %parallel_loop3A_150 = tpu.bitcast %parallel_loop3A_149 : vector<16xi32> -> vector<16xf32>
      %parallel_loop3A_151 = arith.addf %parallel_loop3A_113, %parallel_loop3A_148 : vector<16xf32>
      %parallel_loop3A_152 = arith.addf %parallel_loop3A_114, %parallel_loop3A_150 : vector<16xf32>
      %parallel_loop3A_153 = arith.constant 0 : i32
      %parallel_loop3A_154 = arith.index_cast %parallel_loop3A_153 : i32 to index
      %parallel_loop3A_155 = arith.index_cast %parallel_loop3A_108 : i32 to index
      %parallel_loop3A_156 = arith.constant 48 : index
      %parallel_loop3A_157 = tpu.vector_load %arg6[%parallel_loop3A_154, %parallel_loop3A_155, %parallel_loop3A_156] {strides = array<i32>} : memref<2x104x64xi32, #tpu.memory_space<vmem>>, vector<1x1x16xi32>,
      %parallel_loop3A_158 = vector.shape_cast %parallel_loop3A_157 : vector<1x1x16xi32> to vector<16xi32>
      %parallel_loop3A_159 = arith.shli %parallel_loop3A_158, %broadcast_in_dim3A_3 : vector<16xi32>
      %parallel_loop3A_160 = tpu.bitcast %parallel_loop3A_159 : vector<16xi32> -> vector<16xf32>
      %parallel_loop3A_161 = arith.andi %parallel_loop3A_158, %broadcast_in_dim3A_5 : vector<16xi32>
      %parallel_loop3A_162 = tpu.bitcast %parallel_loop3A_161 : vector<16xi32> -> vector<16xf32>
      %parallel_loop3A_163 = arith.addf %parallel_loop3A_115, %parallel_loop3A_160 : vector<16xf32>
      %parallel_loop3A_164 = arith.addf %parallel_loop3A_116, %parallel_loop3A_162 : vector<16xf32>
      scf.yield %parallel_loop3A_127, %parallel_loop3A_128, %parallel_loop3A_139, %parallel_loop3A_140, %parallel_loop3A_151, %parallel_loop3A_152, %parallel_loop3A_163, %parallel_loop3A_164 : vector<16xf32>, vector<16xf32>, vector<16xf32>, vector<16xf32>, vector<16xf32>, vector<16xf32>, vector<16xf32>, vector<16xf32>
    } {sc.loop_unroll_factor = 8 : i64, sc.parallel_access}
    %dma_wait3A_45 = arith.constant 1 : i32
    %dma_wait3A_46 = arith.constant 0 : i32
    %dma_wait3A_47 = arith.constant 0 : i32
    %dma_wait3A_48 = tpu.memref_slice %arg6[%dma_wait3A_45, %dma_wait3A_46, %dma_wait3A_47] : memref<2x104x64xi32, #tpu.memory_space<vmem>> -> memref<1x104x64xi32, #tpu.memory_space<vmem>>
    %dma_wait3A_49 = tpu.memref_squeeze %dma_wait3A_48 : memref<1x104x64xi32, #tpu.memory_space<vmem>> -> memref<104x64xi32, #tpu.memory_space<vmem>>
    %dma_wait3A_50 = arith.constant 96 : i32
    %dma_wait3A_51 = tpu.memref_slice %arg5[%dma_wait3A_50] : memref<25600xi32, #tpu.memory_space<vmem>> -> memref<104xi32, #tpu.memory_space<vmem>>
    %dma_wait3A_52 = arith.constant 0 : i32
    %dma_wait3A_53 = arith.constant 0 : i32
    %dma_wait3A_54 = tpu.memref_slice %arg3[%dma_wait3A_52, %dma_wait3A_53] : memref<30522x64xi32, #tpu.memory_space<hbm>> -> memref<30522x64xi32, #tpu.memory_space<hbm>>
    tpu.wait_indirect_dma semaphore(%arg9 : memref<!tpu.dma_semaphore, #tpu.memory_space<semaphore_mem>>) src(%dma_wait3A_54 : memref<30522x64xi32, #tpu.memory_space<hbm>>) dst(%dma_wait3A_49 : memref<104x64xi32, #tpu.memory_space<vmem>>)
    %parallel_loop3A_55 = arith.constant 0 : i32
    %parallel_loop3A_56 = arith.constant 104 : i32
    %parallel_loop3A_57 = arith.constant 1 : i32
    %parallel_loop3A_58:8 = scf.for %parallel_loop3A_108 = %parallel_loop3A_55 to %parallel_loop3A_56 step %parallel_loop3A_57 iter_args(%parallel_loop3A_109 = %parallel_loop3A_44#0, %parallel_loop3A_110 = %parallel_loop3A_44#1, %parallel_loop3A_111 = %parallel_loop3A_44#2, %parallel_loop3A_112 = %parallel_loop3A_44#3, %parallel_loop3A_113 = %parallel_loop3A_44#4, %parallel_loop3A_114 = %parallel_loop3A_44#5, %parallel_loop3A_115 = %parallel_loop3A_44#6, %parallel_loop3A_116 = %parallel_loop3A_44#7) -> (vector<16xf32>, vector<16xf32>, vector<16xf32>, vector<16xf32>, vector<16xf32>, vector<16xf32>, vector<16xf32>, vector<16xf32>)  : i32 {
      %parallel_loop3A_117 = arith.constant 1 : i32
      %parallel_loop3A_118 = arith.index_cast %parallel_loop3A_117 : i32 to index
      %parallel_loop3A_119 = arith.index_cast %parallel_loop3A_108 : i32 to index
      %parallel_loop3A_120 = arith.constant 0 : index
      %parallel_loop3A_121 = tpu.vector_load %arg6[%parallel_loop3A_118, %parallel_loop3A_119, %parallel_loop3A_120] {strides = array<i32>} : memref<2x104x64xi32, #tpu.memory_space<vmem>>, vector<1x1x16xi32>,
      %parallel_loop3A_122 = vector.shape_cast %parallel_loop3A_121 : vector<1x1x16xi32> to vector<16xi32>
      %parallel_loop3A_123 = arith.shli %parallel_loop3A_122, %broadcast_in_dim3A_3 : vector<16xi32>
      %parallel_loop3A_124 = tpu.bitcast %parallel_loop3A_123 : vector<16xi32> -> vector<16xf32>
      %parallel_loop3A_125 = arith.andi %parallel_loop3A_122, %broadcast_in_dim3A_5 : vector<16xi32>
      %parallel_loop3A_126 = tpu.bitcast %parallel_loop3A_125 : vector<16xi32> -> vector<16xf32>
      %parallel_loop3A_127 = arith.addf %parallel_loop3A_109, %parallel_loop3A_124 : vector<16xf32>
      %parallel_loop3A_128 = arith.addf %parallel_loop3A_110, %parallel_loop3A_126 : vector<16xf32>
      %parallel_loop3A_129 = arith.constant 1 : i32
      %parallel_loop3A_130 = arith.index_cast %parallel_loop3A_129 : i32 to index
      %parallel_loop3A_131 = arith.index_cast %parallel_loop3A_108 : i32 to index
      %parallel_loop3A_132 = arith.constant 16 : index
      %parallel_loop3A_133 = tpu.vector_load %arg6[%parallel_loop3A_130, %parallel_loop3A_131, %parallel_loop3A_132] {strides = array<i32>} : memref<2x104x64xi32, #tpu.memory_space<vmem>>, vector<1x1x16xi32>,
      %parallel_loop3A_134 = vector.shape_cast %parallel_loop3A_133 : vector<1x1x16xi32> to vector<16xi32>
      %parallel_loop3A_135 = arith.shli %parallel_loop3A_134, %broadcast_in_dim3A_3 : vector<16xi32>
      %parallel_loop3A_136 = tpu.bitcast %parallel_loop3A_135 : vector<16xi32> -> vector<16xf32>
      %parallel_loop3A_137 = arith.andi %parallel_loop3A_134, %broadcast_in_dim3A_5 : vector<16xi32>
      %parallel_loop3A_138 = tpu.bitcast %parallel_loop3A_137 : vector<16xi32> -> vector<16xf32>
      %parallel_loop3A_139 = arith.addf %parallel_loop3A_111, %parallel_loop3A_136 : vector<16xf32>
      %parallel_loop3A_140 = arith.addf %parallel_loop3A_112, %parallel_loop3A_138 : vector<16xf32>
      %parallel_loop3A_141 = arith.constant 1 : i32
      %parallel_loop3A_142 = arith.index_cast %parallel_loop3A_141 : i32 to index
      %parallel_loop3A_143 = arith.index_cast %parallel_loop3A_108 : i32 to index
      %parallel_loop3A_144 = arith.constant 32 : index
      %parallel_loop3A_145 = tpu.vector_load %arg6[%parallel_loop3A_142, %parallel_loop3A_143, %parallel_loop3A_144] {strides = array<i32>} : memref<2x104x64xi32, #tpu.memory_space<vmem>>, vector<1x1x16xi32>,
      %parallel_loop3A_146 = vector.shape_cast %parallel_loop3A_145 : vector<1x1x16xi32> to vector<16xi32>
      %parallel_loop3A_147 = arith.shli %parallel_loop3A_146, %broadcast_in_dim3A_3 : vector<16xi32>
      %parallel_loop3A_148 = tpu.bitcast %parallel_loop3A_147 : vector<16xi32> -> vector<16xf32>
      %parallel_loop3A_149 = arith.andi %parallel_loop3A_146, %broadcast_in_dim3A_5 : vector<16xi32>
      %parallel_loop3A_150 = tpu.bitcast %parallel_loop3A_149 : vector<16xi32> -> vector<16xf32>
      %parallel_loop3A_151 = arith.addf %parallel_loop3A_113, %parallel_loop3A_148 : vector<16xf32>
      %parallel_loop3A_152 = arith.addf %parallel_loop3A_114, %parallel_loop3A_150 : vector<16xf32>
      %parallel_loop3A_153 = arith.constant 1 : i32
      %parallel_loop3A_154 = arith.index_cast %parallel_loop3A_153 : i32 to index
      %parallel_loop3A_155 = arith.index_cast %parallel_loop3A_108 : i32 to index
      %parallel_loop3A_156 = arith.constant 48 : index
      %parallel_loop3A_157 = tpu.vector_load %arg6[%parallel_loop3A_154, %parallel_loop3A_155, %parallel_loop3A_156] {strides = array<i32>} : memref<2x104x64xi32, #tpu.memory_space<vmem>>, vector<1x1x16xi32>,
      %parallel_loop3A_158 = vector.shape_cast %parallel_loop3A_157 : vector<1x1x16xi32> to vector<16xi32>
      %parallel_loop3A_159 = arith.shli %parallel_loop3A_158, %broadcast_in_dim3A_3 : vector<16xi32>
      %parallel_loop3A_160 = tpu.bitcast %parallel_loop3A_159 : vector<16xi32> -> vector<16xf32>
      %parallel_loop3A_161 = arith.andi %parallel_loop3A_158, %broadcast_in_dim3A_5 : vector<16xi32>
      %parallel_loop3A_162 = tpu.bitcast %parallel_loop3A_161 : vector<16xi32> -> vector<16xf32>
      %parallel_loop3A_163 = arith.addf %parallel_loop3A_115, %parallel_loop3A_160 : vector<16xf32>
      %parallel_loop3A_164 = arith.addf %parallel_loop3A_116, %parallel_loop3A_162 : vector<16xf32>
      scf.yield %parallel_loop3A_127, %parallel_loop3A_128, %parallel_loop3A_139, %parallel_loop3A_140, %parallel_loop3A_151, %parallel_loop3A_152, %parallel_loop3A_163, %parallel_loop3A_164 : vector<16xf32>, vector<16xf32>, vector<16xf32>, vector<16xf32>, vector<16xf32>, vector<16xf32>, vector<16xf32>, vector<16xf32>
    } {sc.loop_unroll_factor = 8 : i64, sc.parallel_access}
    %swap3A = arith.constant 127 : i32
    %swap3A_59 = arith.index_cast %swap3A : i32 to index
    %swap3A_60 = arith.constant 0 : index
    %swap3A_61 = tpu.vector_load %arg7[%swap3A_59, %swap3A_60] {strides = array<i32>} : memref<128x128xf32, #tpu.memory_space<vmem>>, vector<1x16xf32>,
    %swap3A_62 = vector.shape_cast %swap3A_61 : vector<1x16xf32> to vector<16xf32>
    %swap3A_63 = vector.shape_cast %parallel_loop3A_58#0 : vector<16xf32> to vector<1x16xf32>
    tpu.vector_store %arg7[%swap3A_59, %swap3A_60], %swap3A_63 {strides = array<i32>} : memref<128x128xf32, #tpu.memory_space<vmem>>, vector<1x16xf32>,
    %swap3A_64 = arith.constant 127 : i32
    %swap3A_65 = arith.index_cast %swap3A_64 : i32 to index
    %swap3A_66 = arith.constant 16 : index
    %swap3A_67 = tpu.vector_load %arg7[%swap3A_65, %swap3A_66] {strides = array<i32>} : memref<128x128xf32, #tpu.memory_space<vmem>>, vector<1x16xf32>,
    %swap3A_68 = vector.shape_cast %swap3A_67 : vector<1x16xf32> to vector<16xf32>
    %swap3A_69 = vector.shape_cast %parallel_loop3A_58#1 : vector<16xf32> to vector<1x16xf32>
    tpu.vector_store %arg7[%swap3A_65, %swap3A_66], %swap3A_69 {strides = array<i32>} : memref<128x128xf32, #tpu.memory_space<vmem>>, vector<1x16xf32>,
    %swap3A_70 = arith.constant 127 : i32
    %swap3A_71 = arith.index_cast %swap3A_70 : i32 to index
    %swap3A_72 = arith.constant 32 : index
    %swap3A_73 = tpu.vector_load %arg7[%swap3A_71, %swap3A_72] {strides = array<i32>} : memref<128x128xf32, #tpu.memory_space<vmem>>, vector<1x16xf32>,
    %swap3A_74 = vector.shape_cast %swap3A_73 : vector<1x16xf32> to vector<16xf32>
    %swap3A_75 = vector.shape_cast %parallel_loop3A_58#2 : vector<16xf32> to vector<1x16xf32>
    tpu.vector_store %arg7[%swap3A_71, %swap3A_72], %swap3A_75 {strides = array<i32>} : memref<128x128xf32, #tpu.memory_space<vmem>>, vector<1x16xf32>,
    %swap3A_76 = arith.constant 127 : i32
    %swap3A_77 = arith.index_cast %swap3A_76 : i32 to index
    %swap3A_78 = arith.constant 48 : index
    %swap3A_79 = tpu.vector_load %arg7[%swap3A_77, %swap3A_78] {strides = array<i32>} : memref<128x128xf32, #tpu.memory_space<vmem>>, vector<1x16xf32>,
    %swap3A_80 = vector.shape_cast %swap3A_79 : vector<1x16xf32> to vector<16xf32>
    %swap3A_81 = vector.shape_cast %parallel_loop3A_58#3 : vector<16xf32> to vector<1x16xf32>
    tpu.vector_store %arg7[%swap3A_77, %swap3A_78], %swap3A_81 {strides = array<i32>} : memref<128x128xf32, #tpu.memory_space<vmem>>, vector<1x16xf32>,
    %swap3A_82 = arith.constant 127 : i32
    %swap3A_83 = arith.index_cast %swap3A_82 : i32 to index
    %swap3A_84 = arith.constant 64 : index
    %swap3A_85 = tpu.vector_load %arg7[%swap3A_83, %swap3A_84] {strides = array<i32>} : memref<128x128xf32, #tpu.memory_space<vmem>>, vector<1x16xf32>,
    %swap3A_86 = vector.shape_cast %swap3A_85 : vector<1x16xf32> to vector<16xf32>
    %swap3A_87 = vector.shape_cast %parallel_loop3A_58#4 : vector<16xf32> to vector<1x16xf32>
    tpu.vector_store %arg7[%swap3A_83, %swap3A_84], %swap3A_87 {strides = array<i32>} : memref<128x128xf32, #tpu.memory_space<vmem>>, vector<1x16xf32>,
    %swap3A_88 = arith.constant 127 : i32
    %swap3A_89 = arith.index_cast %swap3A_88 : i32 to index
    %swap3A_90 = arith.constant 80 : index
    %swap3A_91 = tpu.vector_load %arg7[%swap3A_89, %swap3A_90] {strides = array<i32>} : memref<128x128xf32, #tpu.memory_space<vmem>>, vector<1x16xf32>,
    %swap3A_92 = vector.shape_cast %swap3A_91 : vector<1x16xf32> to vector<16xf32>
    %swap3A_93 = vector.shape_cast %parallel_loop3A_58#5 : vector<16xf32> to vector<1x16xf32>
    tpu.vector_store %arg7[%swap3A_89, %swap3A_90], %swap3A_93 {strides = array<i32>} : memref<128x128xf32, #tpu.memory_space<vmem>>, vector<1x16xf32>,
    %swap3A_94 = arith.constant 127 : i32
    %swap3A_95 = arith.index_cast %swap3A_94 : i32 to index
    %swap3A_96 = arith.constant 96 : index
    %swap3A_97 = tpu.vector_load %arg7[%swap3A_95, %swap3A_96] {strides = array<i32>} : memref<128x128xf32, #tpu.memory_space<vmem>>, vector<1x16xf32>,
    %swap3A_98 = vector.shape_cast %swap3A_97 : vector<1x16xf32> to vector<16xf32>
    %swap3A_99 = vector.shape_cast %parallel_loop3A_58#6 : vector<16xf32> to vector<1x16xf32>
    tpu.vector_store %arg7[%swap3A_95, %swap3A_96], %swap3A_99 {strides = array<i32>} : memref<128x128xf32, #tpu.memory_space<vmem>>, vector<1x16xf32>,
    %swap3A_100 = arith.constant 127 : i32
    %swap3A_101 = arith.index_cast %swap3A_100 : i32 to index
    %swap3A_102 = arith.constant 112 : index
    %swap3A_103 = tpu.vector_load %arg7[%swap3A_101, %swap3A_102] {strides = array<i32>} : memref<128x128xf32, #tpu.memory_space<vmem>>, vector<1x16xf32>,
    %swap3A_104 = vector.shape_cast %swap3A_103 : vector<1x16xf32> to vector<16xf32>
    %swap3A_105 = vector.shape_cast %parallel_loop3A_58#7 : vector<16xf32> to vector<1x16xf32>
    tpu.vector_store %arg7[%swap3A_101, %swap3A_102], %swap3A_105 {strides = array<i32>} : memref<128x128xf32, #tpu.memory_space<vmem>>, vector<1x16xf32>,
    %mul3A_106 = arith.constant 128 : i32
    %mul3A_107 = arith.muli %add3A, %mul3A_106 : i32
    "tpu.region"() ({
      %run_scoped3A = tpu.sem_alloc : memref<!tpu.dma_semaphore, #tpu.memory_space<semaphore_mem>>
      %dma_start3A_108 = arith.constant 0 : i32
      %dma_start3A_109 = tpu.memref_slice %arg4[%mul3A_107, %dma_start3A_108] : memref<4096x128xf32, #tpu.memory_space<hbm>> -> memref<128x128xf32, #tpu.memory_space<hbm>>
      %dma_start3A_110 = arith.constant 0 : i32
      %dma_start3A_111 = tpu.memref_slice %arg4[%mul3A_107, %dma_start3A_110] : memref<4096x128xf32, #tpu.memory_space<hbm>> -> memref<128x128xf32, #tpu.memory_space<hbm>>
      tpu.enqueue_dma source(%arg7 : memref<128x128xf32, #tpu.memory_space<vmem>>) target(%dma_start3A_111 : memref<128x128xf32, #tpu.memory_space<hbm>>) target_semaphore(%run_scoped3A : memref<!tpu.dma_semaphore, #tpu.memory_space<semaphore_mem>>)
      %dma_wait3A_112 = arith.constant 0 : i32
      %dma_wait3A_113 = tpu.memref_slice %arg4[%mul3A_107, %dma_wait3A_112] : memref<4096x128xf32, #tpu.memory_space<hbm>> -> memref<128x128xf32, #tpu.memory_space<hbm>>
      %dma_wait3A_114 = arith.constant 0 : i32
      %dma_wait3A_115 = tpu.memref_slice %arg4[%mul3A_107, %dma_wait3A_114] : memref<4096x128xf32, #tpu.memory_space<hbm>> -> memref<128x128xf32, #tpu.memory_space<hbm>>
      tpu.wait_dma2 semaphore(%run_scoped3A : memref<!tpu.dma_semaphore, #tpu.memory_space<semaphore_mem>>) src(%arg7 : memref<128x128xf32, #tpu.memory_space<vmem>>) dst(%dma_wait3A_115 : memref<128x128xf32, #tpu.memory_space<hbm>>)
      tpu.yield
    }) : () -> ()
    return
  }
}

module attributes {stable_mosaic.version = 14 : i64} {
  func.func @_mlp_body(%arg0: memref<4096x128xf32, #tpu.memory_space<vmem>>, %arg1: memref<128x64xf32, #tpu.memory_space<vmem>>, %arg2: memref<1x64xf32, #tpu.memory_space<vmem>>, %arg3: memref<64x4xf32, #tpu.memory_space<vmem>>, %arg4: memref<1x4xf32, #tpu.memory_space<vmem>>, %arg5: memref<4096x4xf32, #tpu.memory_space<vmem>>) attributes {dimension_semantics = [], scalar_prefetch = 0 : i64, scratch_operands = 0 : i64, tpu.core_type = #tpu.core_type<tc>} {
    %get3A = arith.constant 0 : index
    %get3A_0 = arith.constant 0 : index
    %get3A_1 = vector.load %arg0[%get3A, %get3A_0] : memref<4096x128xf32, #tpu.memory_space<vmem>>, vector<4096x128xf32>
    %get3A_2 = arith.constant 0 : index
    %get3A_3 = arith.constant 0 : index
    %get3A_4 = vector.load %arg1[%get3A_2, %get3A_3] : memref<128x64xf32, #tpu.memory_space<vmem>>, vector<128x64xf32>
    %dot_general3A = arith.constant dense<0.000000e+00> : vector<4096x64xf32>
    %dot_general3A_5 = tpu.matmul %get3A_1, %get3A_4, %dot_general3A {dimension_numbers = #tpu.dot_dimension_numbers<[1], [0], [0], [1], [0, 0, 1, 1], [], []>, transpose_lhs_hint = false} : vector<4096x128xf32>, vector<128x64xf32>, vector<4096x64xf32> -> vector<4096x64xf32>
    %get3A_6 = arith.constant 0 : index
    %get3A_7 = arith.constant 0 : index
    %get3A_8 = vector.load %arg2[%get3A_6, %get3A_7] : memref<1x64xf32, #tpu.memory_space<vmem>>, vector<1x64xf32>
    %add3A = vector.broadcast %get3A_8 : vector<1x64xf32> to vector<4096x64xf32>
    %add3A_9 = arith.addf %dot_general3A_5, %add3A : vector<4096x64xf32>
    %max3A = arith.constant 0.000000e+00 : f32
    %max3A_10 = vector.broadcast %max3A : f32 to vector<4096x64xf32>
    %max3A_11 = arith.maximumf %add3A_9, %max3A_10 : vector<4096x64xf32>
    %get3A_12 = arith.constant 0 : index
    %get3A_13 = arith.constant 0 : index
    %get3A_14 = vector.load %arg3[%get3A_12, %get3A_13] : memref<64x4xf32, #tpu.memory_space<vmem>>, vector<64x4xf32>
    %dot_general3A_15 = arith.constant dense<0.000000e+00> : vector<4096x4xf32>
    %dot_general3A_16 = tpu.matmul %max3A_11, %get3A_14, %dot_general3A_15 {dimension_numbers = #tpu.dot_dimension_numbers<[1], [0], [0], [1], [0, 0, 1, 1], [], []>, transpose_lhs_hint = false} : vector<4096x64xf32>, vector<64x4xf32>, vector<4096x4xf32> -> vector<4096x4xf32>
    %get3A_17 = arith.constant 0 : index
    %get3A_18 = arith.constant 0 : index
    %get3A_19 = vector.load %arg4[%get3A_17, %get3A_18] : memref<1x4xf32, #tpu.memory_space<vmem>>, vector<1x4xf32>
    %add3A_20 = vector.broadcast %get3A_19 : vector<1x4xf32> to vector<4096x4xf32>
    %add3A_21 = arith.addf %dot_general3A_16, %add3A_20 : vector<4096x4xf32>
    %swap3A = arith.constant 0 : index
    %swap3A_22 = arith.constant 0 : index
    %swap3A_23 = vector.load %arg5[%swap3A, %swap3A_22] : memref<4096x4xf32, #tpu.memory_space<vmem>>, vector<4096x4xf32>
    tpu.vector_store %arg5[%swap3A, %swap3A_22], %add3A_21 {strides = array<i32>} : memref<4096x4xf32, #tpu.memory_space<vmem>>, vector<4096x4xf32>,
    return
  }
}

</mosaic_0001>

<sc_bundles>
// kernel: kernel.4.cloned.1.call-start
scs
__scs_entry_jumppad:
0x0: {  	(pc) =	sbr.rel $0x88, $3  }
0x1: {  	(tag) =	ssettag $0x0;
	lr =	simm.s32 $0x1  }
0x2: {  	[smem:$0x3F9B] =	sst lr;
	_ =	strace $0xD0000000  }
0x3: {  	_ = 	snop  }
0x4: {  	_ = 	snop  }
0x5: {  	_ = 	snop  }
0x6: {  	_ = 	snop  }
0x7: {  	_ = 	snop  }
__scs_overlays_trampoline_lowered:
0x8: {  	[smem:$0x3FAA] =	sst s0  }
0x9: {  	[smem:$0x3FAB] =	sst s1  }
0xa: {  	[smem:$0x3FAC] =	sst s2  }
0xb: {  	[smem:$0x3FAD] =	sst s3  }
0xc: {  	[smem:$0x3FAE] =	sst s4  }
0xd: {  	[smem:$0x3FAF] =	sst s5  }
0xe: {  	[smem:$0x3FB0] =	sst s6  }
0xf: {  	[smem:$0x3FB1] =	sst s7  }
0x10: {  	[smem:$0x3FB2] =	sst s8  }
0x11: {  	[smem:$0x3FB3] =	sst s9;
	s0 =	simm.s32 @!p0 $0x0  }
0x12: {  	s1 =	sld [smem:$0x3F99];
	s0 =	simm.s32 @p0 $0x1  }
0x13: {  	[smem:$0x3FB4] =	sst s0;
	s0 =	simm.s32 @!p1 $0x0  }
0x14: {  	s2 =	sld [smem:$0x3F98];
	s0 =	simm.s32 @p1 $0x1  }
0x15: {  	[smem:$0x3FB5] =	sst s0;
	s0 =	simm.s32 @!p2 $0x0  }
0x16: {  	s3 =	sld [smem:$0x3FDB];
	s0 =	simm.s32 @p2 $0x1  }
0x17: {  	s4 =	simm.s32 $0x1BF5;
	[smem:$0x3FB7] =	sst s0  }
0x18: {  	s0 =	sld [smem:$0x3F9A];
	_ =	swait.ge [sflag:s4], $0x0  }
0x19: {  	s7 =	sld [smem:$0x3F9B]  }
0x1a: {  	s8 =	sadd.s32 $0xFFFFE003, lr  }
0x1b: {  	s9 =	sadd.s32 $0xFFFFFEF7, lr;
	s5 =	simm.s32 $0xFFFFFFFF;
	p2 =	slt.u32 s8, $0xFFFFF086  }
0x1c: {  	p1 =	slt.u32 s9, $0xF7A;
	s5 =	simm.s32 @!p2 $0x0  }
0x1d: {  	s5 =	simm.s32 @p1 $0x1;
	p0 =	seq.s32 s7, s2  }
0x1e: {  	s7 =	smul.u32 @!p0 $0xF7A, s2;
	p2 =	seq.s32 @!p0 s5, $0x0  }
0x1f: {  	s9 =	smul.u32 $0xF7A, s1;
	s8 =	simm.s32 @!p0 $0x1BF5;
	p2 =	por !p2, p0  }
0x20: {  	[sflag:s8] =	ssyncset.s32 @!p0 $0xFFFFF086;
	s6 =	sadd.s32 @!p0 s3, s7;
	s7 =	simm.s32 @!p0 $0x108  }
0x21: {  	s3 =	sadd.s32 s3, s9;
	s6 =	sadd.s32 @!p0 $0x88, s6;
	s7 =	simm.s32 @p2 $0x1082  }
0x22: {  	[simem:s7], [sflag:s8] =	dma.local @!p0 [hbm:s6], $0xF7A  }
0x23: {  	s9 =	sor.u32 $0xD0000000, s2;
	s6 =	simm.s32 $0x108;
	_ =	swait.ge @!p0 [sflag:s8], $0x0  }
0x24: {  	s3 =	sadd.s32 $0x88, s3;
	s6 =	simm.s32 @!p1 $0x1082;
	[sflag:s4] =	ssyncset.s32 $0xFFFFF086  }
0x25: {  	[simem:s6], [sflag:s4] =	dma.local [hbm:s3], $0xF7A  }
0x26: {  	[smem:$0x3F9B] =	sst s1;
	(tag) =	ssettag s2;
	_ =	strace s9  }
0x27: {  	s1 =	sld [smem:$0x3FAB]  }
0x28: {  	s2 =	sld [smem:$0x3FAC]  }
0x29: {  	s4 =	sld [smem:$0x3FAE]  }
0x2a: {  	p0 =	seq.s32 s5, $0x0;
	s5 =	sld [smem:$0x3FAF]  }
0x2b: {  	s6 =	sld [smem:$0x3FB0]  }
0x2c: {  	s7 =	sld [smem:$0x3FB1]  }
0x2d: {  	s3 =	simm.s32 $0x108;
	s8 =	sld [smem:$0x3FB2]  }
0x2e: {  	s3 =	simm.s32 @!p0 $0x1082;
	s9 =	sld [smem:$0x3FB3]  }
0x2f: {  	lr =	sadd.s32 s0, s3;
	s0 =	sld [smem:$0x3FAA]  }
0x30: {  	s3 =	sld [smem:$0x3FAD]  }
0x31: {  	[smem:$0x3FB6] =	sst s10  }
0x32: {  	s10 =	sld [smem:$0x3FB4];
	_ =	sdelay $0x3  }
0x33: {  	p0 =	seq.s32 s10, $0x1;
	s10 =	sld [smem:$0x3FB6];
	_ =	sdelay $0x3  }
0x34: {  	[smem:$0x3FB6] =	sst s10  }
0x35: {  	s10 =	sld [smem:$0x3FB5];
	_ =	sdelay $0x3  }
0x36: {  	p1 =	seq.s32 s10, $0x1;
	s10 =	sld [smem:$0x3FB6];
	_ =	sdelay $0x3  }
0x37: {  	[smem:$0x3FB6] =	sst s10  }
0x38: {  	s10 =	sld [smem:$0x3FB7]  }
0x39: {  	_ = 	snop;
	(pc) =	sbr.ind lr, $3  }
0x3a: {  	_ = 	snop  }
0x3b: {  	_ = 	snop  }
0x3c: {  	p2 =	seq.s32 s10, $0x1;
	s10 =	sld [smem:$0x3FB6]  }
0x3d: {  	_ =	shalt  }
0x3e: {  	_ =	shalt  }
0x3f: {  	_ =	shalt  }
0x40: {  	_ =	shalt  }
0x41: {  	_ =	shalt  }
0x42: {  	_ =	shalt  }
0x43: {  	_ =	shalt  }
0x44: {  	_ =	shalt  }
0x45: {  	_ =	shalt  }
0x46: {  	_ =	shalt  }
0x47: {  	_ =	shalt  }
0x48: {  	_ =	shalt  }
0x49: {  	_ =	shalt  }
0x4a: {  	_ =	shalt  }
0x4b: {  	_ =	shalt  }
0x4c: {  	_ =	shalt  }
0x4d: {  	_ =	shalt  }
0x4e: {  	_ =	shalt  }
0x4f: {  	_ =	shalt  }
0x50: {  	_ =	shalt  }
0x51: {  	_ =	shalt  }
0x52: {  	_ =	shalt  }
0x53: {  	_ =	shalt  }
0x54: {  	_ =	shalt  }
0x55: {  	_ =	shalt  }
0x56: {  	_ =	shalt  }
0x57: {  	_ =	shalt  }
0x58: {  	_ =	shalt  }
0x59: {  	_ =	shalt  }
0x5a: {  	_ =	shalt  }
0x5b: {  	_ =	shalt  }
0x5c: {  	_ =	shalt  }
0x5d: {  	_ =	shalt  }
0x5e: {  	_ =	shalt  }
0x5f: {  	_ =	shalt  }
0x60: {  	_ =	shalt  }
0x61: {  	_ =	shalt  }
0x62: {  	_ =	shalt  }
0x63: {  	_ =	shalt  }
0x64: {  	_ =	shalt  }
0x65: {  	_ =	shalt  }
0x66: {  	_ =	shalt  }
0x67: {  	_ =	shalt  }
0x68: {  	_ =	shalt  }
0x69: {  	_ =	shalt  }
0x6a: {  	_ =	shalt  }
0x6b: {  	_ =	shalt  }
0x6c: {  	_ =	shalt  }
0x6d: {  	_ =	shalt  }
0x6e: {  	_ =	shalt  }
0x6f: {  	_ =	shalt  }
0x70: {  	_ =	shalt  }
0x71: {  	_ =	shalt  }
0x72: {  	_ =	shalt  }
0x73: {  	_ =	shalt  }
0x74: {  	_ =	shalt  }
0x75: {  	_ =	shalt  }
0x76: {  	_ =	shalt  }
0x77: {  	_ =	shalt  }
0x78: {  	_ =	shalt  }
0x79: {  	_ =	shalt  }
0x7a: {  	_ =	shalt  }
0x7b: {  	_ =	shalt  }
0x7c: {  	_ =	shalt  }
0x7d: {  	_ =	shalt  }
0x7e: {  	_ =	shalt  }
0x7f: {  	_ =	shalt  }
0x80: {  	_ =	shalt  }
0x81: {  	_ =	shalt  }
0x82: {  	_ =	shalt  }
0x83: {  	_ =	shalt  }
0x84: {  	_ =	shalt  }
0x85: {  	_ =	shalt  }
0x86: {  	_ =	shalt  }
0x87: {  	_ =	shalt  }
.Lfunc_end0:
.L_simem_size_0:
called_computation_lowered:
.L_overlay_start_0:
0x88: {  	s2 =	sld [smem:$0x3FD9]  }
0x89: {  	s3 =	sld [smem:$0x3FFE];
	_ =	sdelay $0x1  }
0x8a: {  	s1 =	srdreg.scid  }
0x8b: {  	s0 =	sand.u32 $0x1, s1  }
0x8c: {  	s16 =	sshll.u32 s0, $0xA;
	s2 =	sadd.s32 s3, s2  }
0x8d: {  	s2 =	sadd.s32 s2, s16  }
0x8e: {  	[smem:$0x3FC2] =	sst s2  }
0x8f: {  	_ = 	snop  }
0x90: {  	(tm) =	ssettm $0x1  }
0x91: {  	s17 =	sld [smem:$0x3FFB];
	_ =	sdelay $0x3  }
0x92: {  	_ =	strace s17  }
0x93: {  	s2 =	sld [smem:$0x3FFC];
	_ =	sdelay $0x3  }
0x94: {  	_ =	strace s2  }
0x95: {  	s2 =	sld [smem:$0x3FFD];
	_ =	sdelay $0x3  }
0x96: {  	_ =	strace s2  }
0x97: {  	_ =	strace $0x8FFFFFFF  }
0x98: {  	s18 =	sld [smem:$0x3FDB];
	_ =	sdelay $0x1  }
0x99: {  	s19 =	simm.s32 $_scs_section_size  }
0x9a: {  	s4 =	simm.s32 $_size__tile_overlayer_lowered;
	s5 =	simm.s32 $_tile_overlayer_lowered  }
0x9b: {  	s22 =	simm.s32 $0x1BFF;
	s21 =	sshll.u32 s5, $0x1;
	s2 =	sadd.s32 s19, s18  }
0x9c: {  	s6 =	simm.s32 $0x0;
	s20 =	sshll.u32 s4, $0x1;
	s4 =	sadd.s32 s21, s2  }
0x9d: {  	[timem:s6], [sflag:s22] =	dma.local [hbm:s4], s20  }
0x9e: {  	_ =	swait.ge [sflag:s22], s20  }
0x9f: {  	s3 =	ssub.s32 $0x0, s20;
	[sflag:s22] =	ssyncset.done $0x0  }
0xa0: {  	[sflag:s22] =	ssyncadd.s32 s3;
	_ =	sdelay $0x1  }
0xa1: {  	s23 =	simm.s32 $0x1B8B  }
0xa2: {  	_ =	swait.ge [sflag:s23], $0x1  }
0xa3: {  	[sflag:s23] =	ssyncset.done $0x0  }
0xa4: {  	s25 =	simm.s32 $0x1B8E;
	s24 =	sld [smem:$0x3FFE];
	[sflag:s23] =	ssyncadd.s32 $0xFFFFFFFF  }
0xa5: {  	s26 =	simm.s32 $execute0_lowered;
	[smem:$0x3FD2] =	sst s25  }
0xa6: {  	s4 =	sshll.u32 s26, $0x1;
	_ =	strace $0x80000046;
	[dreg:$0x1] =	wrdreg $0xFFFFFFFF  }
0xa7: {  	s28 =	simm.s32 $_size_execute0_lowered;
	s2 =	sadd.s32 s2, s4;
	[dreg:$0x0] =	wrdreg $0x0  }
0xa8: {  	s4 =	sshll.u32 s28, $0x1;
	[dreg:$0x2] =	wrdreg s2  }
0xa9: {  	[dreg:$0x3] =	wrdreg s4  }
0xaa: {  	[dreg:$0x4] =	wrdreg $0xC0  }
0xab: {  	_ =	task [dreg:s6], $0x5FFFF  }
0xac: {  	[dreg:$0x1] =	wrdreg $0xFFFFFFFF  }
0xad: {  	[dreg:$0x0] =	wrdreg $0x60  }
0xae: {  	[dreg:$0x2] =	wrdreg s24  }
0xaf: {  	[dreg:$0x3] =	wrdreg $0x9  }
0xb0: {  	_ =	task.clear_ibuf [dreg:s6], $0x4FFFF;
	_ =	strace $0x90000046  }
0xb1: {  	s29 =	simm.s32 $0x9;
	_ =	strace $0x80000048  }
0xb2: {  	_ =	swait.ge [sflag:s29], $0x1  }
0xb3: {  	[sflag:s29] =	ssyncadd.s32 $0xFFFFFFFF  }
0xb4: {  	_ =	strace $0x90000048  }
0xb5: {  	_ =	sfence  }
0xb6: {  	s30 =	sld [smem:$0x0];
	_ =	sdelay $0x2  }
0xb7: {  	s31 =	sshll.u32 s1, $0xD;
	s1 =	sshrl.u32 s1, $0x2  }
0xb8: {  	s3 =	sand.u32 $0x4000, s31;
	s1 =	sadd.s32 s1, s30  }
0xb9: {  	s0 =	sor.u32 s3, s0;
	s1 =	sshll.u32 s1, $0x11  }
0xba: {  	s0 =	sor.u32 s1, s0  }
0xbb: {  	s0 =	sadd.s32 $0x8F2B, s0  }
0xbc: {  	[sflag:s0] =	ssyncadd.remote.s32 $0x1  }
0xbd: {  	_ =	sfence.sel $0xFFFF  }
0xbe: {  	[dreg:$0x0] =	wrdreg $0xFFFFFFFF;
	(pc) =	sbr.abs _section_cstart, $3  }
0xbf: {  	[dreg:$0x1] =	wrdreg $0xFFFFFFFF  }
0xc0: {  	_ =	task.clear_ibuf [dreg:s6], $0x2FFFF;
	_ =	strace $0x9FFFFFFF  }
0xc1: {  	(tm) =	ssettm $0x7FFFFFFF  }
tec
execute0_lowered:
.L_overlay_start_1:
0x0: {  	(tag) =	ssettag $0x1  }
0x1: {  	s1 =	srdreg.scid  }
0x2: {  	s0 =	stileid.u32;
	s4 =	rddreg [dreg:$0x0];
	s2 =	simm.s32 $0x0  }
0x3: {  	s9 =	simm.s32 $0x6400;
	s10 =	simm.s32 $0x68;
	s11 =	simm.s32 $0x7E00  }
0x4: {  	s12 =	simm.s32 $0x1;
	s13 =	simm.s32 $0x2;
	s14 =	simm.s32 $0x6398  }
0x5: {  	s15 =	simm.s32 $0x9800;
	s3 =	sand.u32 $0x1, s1;
	s1 =	rddreg [dreg:$0x1]  }
0x6: {  	s16 =	simm.s32 $0x0;
	s31 =	sshll.u32 s0, $0x1;
	[smem:$0x7FF] =	sst s2  }
0x7: {  	s5 =	sor.u32 s3, s31;
	_ =	strace $0x80000047;
	s7 =	ssub.s32 $0x2, s3  }
0x8: {  	s6 =	smul.u32 $0xC80, s5;
	s5 =	sshll.u32 s5, $0xB;
	s8 =	sshrl.u32 s7, $0x1  }
0x9: {  	s3 =	sadd.s32 $0x1200, s4;
	s5 =	sadd.s32 s5, s4;
	s7 =	ssub.s32 s7, s8  }
0xa: {  	s8 =	simm.s32 $0x60;
	s6 =	sadd.s32 s6, s4;
	s5 =	sadd.s32 $0x55C00, s5  }
0xb: {  	s4 =	sadd.s32 $0x3CC00, s6;
	s6 =	smax.u32 s7, $0x1;
	s7 =	simm.s32 $0x3  }
.LBB2_1:
0xc: {  	[tilespmem:s2], [sflag:$0x3] =	stream.linear.gather [hbm4b:s4+s2], $0x6400, $0x38;
	[tilespmem:$0xD800] =	vst v63  }
0xd: {  	_ =	swait.ge [sflag:s7], $0x6400  }
0xe: {  	[sflag:s7] =	ssyncset.done $0x0  }
0xf: {  	s17 =	simm.s32 $0x0;
	[sflag:s7] =	ssyncadd.s32 $0xFFFF9C00  }
0x10: {  	[tilespmem:s9], [sflag:$0x1] =	stream.indirect.gather [hbm4b:s3+s8], $0x40, s2, s8, $0xb8;
	[tilespmem:$0xD800] =	vst v63  }
.LBB2_2:
0x11: {  	s18 =	smul.u32 $0x320, s17;
	_ =	sdelay $0x1  }
0x12: {  	s18 =	sshra.s32 s18, $0x2  }
0x13: {  	s18 =	sadd.s32 $0x60, s18  }
0x14: {  	[tilespmem:s11], [sflag:$0x2] =	stream.indirect.gather [hbm4b:s3+s10], $0x40, s18, s10, $0xb8;
	[tilespmem:$0xD800] =	vst v63  }
0x15: {  	_ =	swait.ge [sflag:s12], $0x1800  }
0x16: {  	[sflag:s12] =	ssyncset.done $0x0  }
0x17: {  	s31 =	simm.s32 $0x0;
	[sflag:s12] =	ssyncadd.s32 $0xFFFFE800  }
0x18: {  	v6 =	vld [tilespmem:s31+$0x6430]  }
0x19: {  	v1 =	vld [tilespmem:s31+$0x6400]  }
0x1a: {  	v2 =	vld [tilespmem:s31+$0x6410]  }
0x1b: {  	v3 =	vld [tilespmem:s31+$0x6420];
	_ =	sdelay $0x2  }
0x1c: {  	v0 =	vimm.f32 $0.0e+00;
	s19 =	simm.s32 $0x40  }
0x1d: {  	v10 =	vld [tilespmem:s19+$0x6430];
	v4 =	vand.u32 $0xFFFF0000, v6;
	v5 =	vshll.u32 v1, $0x10;
	v7 =	vand.u32 $0xFFFF0000, v1  }
0x1e: {  	v11 =	vld [tilespmem:s19+$0x6400];
	v9 =	vand.u32 $0xFFFF0000, v2;
	v13 =	vand.u32 $0xFFFF0000, v3;
	v4 =	vadd.f32 v4, v0  }
0x1f: {  	v8 =	vld [tilespmem:s19+$0x6410];
	v1 =	vadd.f32 v5, v0;
	v5 =	vshll.u32 v2, $0x10;
	v2 =	vadd.f32 v7, v0  }
0x20: {  	v7 =	vshll.u32 v3, $0x10;
	v3 =	vadd.f32 v9, v0;
	v9 =	vld [tilespmem:s19+$0x6420];
	v5 =	vadd.f32 v5, v0  }
0x21: {  	s18 =	simm.s32 $0x200;
	v12 =	vshll.u32 v6, $0x10;
	v6 =	vadd.f32 v7, v0;
	v7 =	vadd.f32 v13, v0  }
.LBB2_3:
0x22: {  	s19 =	sshra.s32 s18, $0x2;
	p0 =	sne.s32 s18, $0x5F00;
	s18 =	sadd.s32 $0x100, s18;
	v13 =	vand.u32 $0xFFFF0000, v10;
	v0 =	vadd.f32 v12, v0;
	v12 =	vshll.u32 v10, $0x10  }
.Ltmp0:
0x23: {  	v10 =	vld [tilespmem:s19+$0x6430];
	v14 =	vshll.u32 v11, $0x10;
	v15 =	vand.u32 $0xFFFF0000, v11;
	v4 =	vadd.f32 v13, v4;
	(pc) =	sbr.rel @p0 .LBB2_3-.Ltmp0, $4  }
0x24: {  	v11 =	vld [tilespmem:s19+$0x6400];
	v1 =	vadd.f32 v14, v1;
	v13 =	vshll.u32 v8, $0x10;
	v14 =	vand.u32 $0xFFFF0000, v8  }
0x25: {  	v2 =	vadd.f32 v15, v2;
	v8 =	vld [tilespmem:s19+$0x6410];
	v15 =	vshll.u32 v9, $0x10;
	v16 =	vand.u32 $0xFFFF0000, v9  }
0x26: {  	v5 =	vadd.f32 v13, v5;
	v3 =	vadd.f32 v14, v3;
	v9 =	vld [tilespmem:s19+$0x6420]  }
0x27: {  	v6 =	vadd.f32 v15, v6;
	v7 =	vadd.f32 v16, v7  }
0x28: {  	s18 =	sadd.s32 $0x1, s17  }
0x29: {  	s19 =	smul.u32 $0x320, s18;
	_ =	sdelay $0x1  }
0x2a: {  	s19 =	sshra.s32 s19, $0x2  }
0x2b: {  	[tilespmem:s9], [sflag:$0x1] =	stream.indirect.gather [hbm4b:s3+s8], $0x40, s19, s8, $0xb8;
	[tilespmem:$0xD800] =	vst v63  }
0x2c: {  	_ =	swait.ge [sflag:s13], $0x1A00  }
0x2d: {  	[sflag:s13] =	ssyncset.done $0x0  }
0x2e: {  	s31 =	simm.s32 $0x0;
	[sflag:s13] =	ssyncadd.s32 $0xFFFFE600  }
0x2f: {  	v13 =	vshll.u32 v10, $0x10;
	v10 =	vand.u32 $0xFFFF0000, v10;
	v0 =	vadd.f32 v12, v0;
	v14 =	vld [tilespmem:s31+$0x7E30]  }
0x30: {  	v12 =	vshll.u32 v11, $0x10;
	v11 =	vand.u32 $0xFFFF0000, v11;
	v4 =	vadd.f32 v10, v4;
	v10 =	vld [tilespmem:s31+$0x7E00]  }
0x31: {  	v12 =	vadd.f32 v12, v1;
	v1 =	vshll.u32 v8, $0x10;
	v8 =	vand.u32 $0xFFFF0000, v8;
	v15 =	vld [tilespmem:s31+$0x7E10]  }
0x32: {  	v11 =	vadd.f32 v11, v2;
	v2 =	vshll.u32 v9, $0x10;
	v5 =	vadd.f32 v1, v5;
	v16 =	vld [tilespmem:s31+$0x7E20]  }
0x33: {  	v1 =	vand.u32 $0xFFFF0000, v9;
	v3 =	vadd.f32 v8, v3;
	v6 =	vadd.f32 v2, v6  }
0x34: {  	s20 =	simm.s32 $0x40;
	v17 =	vadd.f32 v1, v7;
	v2 =	vadd.f32 v13, v0  }
0x35: {  	v1 =	vld [tilespmem:s20+$0x7E30];
	v0 =	vand.u32 $0xFFFF0000, v14;
	v7 =	vshll.u32 v10, $0x10;
	v8 =	vand.u32 $0xFFFF0000, v10  }
0x36: {  	v9 =	vand.u32 $0xFFFF0000, v15;
	v0 =	vadd.f32 v0, v4;
	v4 =	vadd.f32 v7, v12;
	v12 =	vld [tilespmem:s20+$0x7E00]  }
0x37: {  	v13 =	vshll.u32 v16, $0x10;
	v7 =	vshll.u32 v15, $0x10;
	v8 =	vadd.f32 v8, v11;
	v11 =	vld [tilespmem:s20+$0x7E10]  }
0x38: {  	v15 =	vand.u32 $0xFFFF0000, v16;
	v10 =	vadd.f32 v7, v5;
	v5 =	vadd.f32 v9, v3;
	v9 =	vld [tilespmem:s20+$0x7E20]  }
0x39: {  	s19 =	simm.s32 $0x200;
	v6 =	vadd.f32 v13, v6;
	v7 =	vshll.u32 v14, $0x10;
	v3 =	vadd.f32 v15, v17  }
.LBB2_5:
0x3a: {  	s20 =	sshra.s32 s19, $0x2;
	p0 =	sne.s32 s19, $0x6700;
	s19 =	sadd.s32 $0x100, s19;
	v13 =	vand.u32 $0xFFFF0000, v1;
	v2 =	vadd.f32 v7, v2;
	v7 =	vshll.u32 v1, $0x10  }
.Ltmp1:
0x3b: {  	v1 =	vld [tilespmem:s20+$0x7E30];
	v14 =	vshll.u32 v12, $0x10;
	v15 =	vand.u32 $0xFFFF0000, v12;
	v0 =	vadd.f32 v13, v0;
	(pc) =	sbr.rel @p0 .LBB2_5-.Ltmp1, $4  }
0x3c: {  	v12 =	vld [tilespmem:s20+$0x7E00];
	v4 =	vadd.f32 v14, v4;
	v13 =	vshll.u32 v11, $0x10;
	v14 =	vand.u32 $0xFFFF0000, v11  }
0x3d: {  	v8 =	vadd.f32 v15, v8;
	v11 =	vld [tilespmem:s20+$0x7E10];
	v15 =	vshll.u32 v9, $0x10;
	v16 =	vand.u32 $0xFFFF0000, v9  }
0x3e: {  	v10 =	vadd.f32 v13, v10;
	v5 =	vadd.f32 v14, v5;
	v9 =	vld [tilespmem:s20+$0x7E20]  }
0x3f: {  	v6 =	vadd.f32 v15, v6;
	v3 =	vadd.f32 v16, v3  }
0x40: {  	v63 =	vand.u32 $0xFFFF0000, v1  }
0x41: {  	s17 =	sshll.u32 s17, $0x7;
	v13 =	vshll.u32 v12, $0x10;
	v0 =	vadd.f32 v63, v0  }
0x42: {  	v2 =	vadd.f32 v7, v2;
	v57 =	vand.u32 $0xFFFF0000, v12;
	s17 =	sand.u32 $0x3FFFFF80, s17;
	v4 =	vadd.f32 v13, v4  }
0x43: {  	v62 =	vshll.u32 v1, $0x10;
	v8 =	vadd.f32 v57, v8;
	[tilespmem:s17+$0x9870] =	vst v0  }
0x44: {  	v58 =	vshll.u32 v11, $0x10;
	v2 =	vadd.f32 v62, v2;
	[tilespmem:s17+$0x9800] =	vst v4  }
0x45: {  	p0 =	sne.s32 s18, $0x7F;
	v59 =	vand.u32 $0xFFFF0000, v11;
	v10 =	vadd.f32 v58, v10;
	[tilespmem:s17+$0x9810] =	vst v8  }
.Ltmp2:
0x46: {  	v60 =	vshll.u32 v9, $0x10;
	v5 =	vadd.f32 v59, v5;
	[tilespmem:s17+$0x9860] =	vst v2;
	(pc) =	sbr.rel @p0 .LBB2_2-.Ltmp2, $4  }
0x47: {  	v61 =	vand.u32 $0xFFFF0000, v9;
	v4 =	vadd.f32 v60, v6;
	[tilespmem:s17+$0x9820] =	vst v10  }
0x48: {  	v3 =	vadd.f32 v61, v3;
	[tilespmem:s17+$0x9830] =	vst v5  }
0x49: {  	[tilespmem:s17+$0x9840] =	vst v4  }
0x4a: {  	[tilespmem:s17+$0x9850] =	vst v3;
	s17 =	smov.u32 s18  }
0x4b: {  	[tilespmem:s11], [sflag:$0x2] =	stream.indirect.gather [hbm4b:s3+s10], $0x40, s14, s10, $0xb8;
	[tilespmem:$0xD800] =	vst v63  }
0x4c: {  	_ =	swait.ge [sflag:s12], $0x1800  }
0x4d: {  	[sflag:s12] =	ssyncset.done $0x0  }
0x4e: {  	s17 =	simm.s32 $0x0;
	[sflag:s12] =	ssyncadd.s32 $0xFFFFE800  }
0x4f: {  	v6 =	vld [tilespmem:s17+$0x6430]  }
0x50: {  	v1 =	vld [tilespmem:s17+$0x6400]  }
0x51: {  	v2 =	vld [tilespmem:s17+$0x6410]  }
0x52: {  	v3 =	vld [tilespmem:s17+$0x6420];
	_ =	sdelay $0x2  }
0x53: {  	v0 =	vimm.f32 $0.0e+00;
	s18 =	simm.s32 $0x40  }
0x54: {  	v10 =	vld [tilespmem:s18+$0x6430];
	v4 =	vand.u32 $0xFFFF0000, v6;
	v5 =	vshll.u32 v1, $0x10;
	v7 =	vand.u32 $0xFFFF0000, v1  }
0x55: {  	v11 =	vld [tilespmem:s18+$0x6400];
	v9 =	vand.u32 $0xFFFF0000, v2;
	v13 =	vand.u32 $0xFFFF0000, v3;
	v4 =	vadd.f32 v4, v0  }
0x56: {  	v8 =	vld [tilespmem:s18+$0x6410];
	v1 =	vadd.f32 v5, v0;
	v5 =	vshll.u32 v2, $0x10;
	v2 =	vadd.f32 v7, v0  }
0x57: {  	v7 =	vshll.u32 v3, $0x10;
	v3 =	vadd.f32 v9, v0;
	v9 =	vld [tilespmem:s18+$0x6420];
	v5 =	vadd.f32 v5, v0  }
0x58: {  	s17 =	simm.s32 $0x200;
	v12 =	vshll.u32 v6, $0x10;
	v6 =	vadd.f32 v7, v0;
	v7 =	vadd.f32 v13, v0  }
.LBB2_8:
0x59: {  	s18 =	sshra.s32 s17, $0x2;
	p0 =	sne.s32 s17, $0x5F00;
	s17 =	sadd.s32 $0x100, s17;
	v13 =	vand.u32 $0xFFFF0000, v10;
	v0 =	vadd.f32 v12, v0;
	v12 =	vshll.u32 v10, $0x10  }
.Ltmp3:
0x5a: {  	v10 =	vld [tilespmem:s18+$0x6430];
	v14 =	vshll.u32 v11, $0x10;
	v15 =	vand.u32 $0xFFFF0000, v11;
	v4 =	vadd.f32 v13, v4;
	(pc) =	sbr.rel @p0 .LBB2_8-.Ltmp3, $4  }
0x5b: {  	v11 =	vld [tilespmem:s18+$0x6400];
	v1 =	vadd.f32 v14, v1;
	v13 =	vshll.u32 v8, $0x10;
	v14 =	vand.u32 $0xFFFF0000, v8  }
0x5c: {  	v2 =	vadd.f32 v15, v2;
	v8 =	vld [tilespmem:s18+$0x6410];
	v15 =	vshll.u32 v9, $0x10;
	v16 =	vand.u32 $0xFFFF0000, v9  }
0x5d: {  	v5 =	vadd.f32 v13, v5;
	v3 =	vadd.f32 v14, v3;
	v9 =	vld [tilespmem:s18+$0x6420]  }
0x5e: {  	v6 =	vadd.f32 v15, v6;
	v7 =	vadd.f32 v16, v7  }
0x5f: {  	_ =	swait.ge [sflag:s13], $0x1A00  }
0x60: {  	[sflag:s13] =	ssyncset.done $0x0  }
0x61: {  	s17 =	simm.s32 $0x0;
	[sflag:s13] =	ssyncadd.s32 $0xFFFFE600  }
0x62: {  	v13 =	vshll.u32 v10, $0x10;
	v10 =	vand.u32 $0xFFFF0000, v10;
	v14 =	vld [tilespmem:s17+$0x7E30]  }
0x63: {  	v4 =	vadd.f32 v10, v4;
	v10 =	vld [tilespmem:s17+$0x7E00]  }
0x64: {  	v0 =	vadd.f32 v12, v0;
	v12 =	vshll.u32 v11, $0x10;
	v11 =	vand.u32 $0xFFFF0000, v11;
	v15 =	vld [tilespmem:s17+$0x7E10]  }
0x65: {  	v12 =	vadd.f32 v12, v1;
	v1 =	vshll.u32 v8, $0x10;
	v8 =	vand.u32 $0xFFFF0000, v8;
	v17 =	vld [tilespmem:s17+$0x7E20]  }
0x66: {  	v11 =	vadd.f32 v11, v2;
	v2 =	vshll.u32 v9, $0x10;
	v16 =	vadd.f32 v1, v5  }
0x67: {  	v1 =	vand.u32 $0xFFFF0000, v9;
	v8 =	vadd.f32 v8, v3;
	v18 =	vadd.f32 v2, v6  }
0x68: {  	s18 =	simm.s32 $0x40;
	v19 =	vadd.f32 v1, v7;
	v2 =	vadd.f32 v13, v0  }
0x69: {  	v1 =	vld [tilespmem:s18+$0x7E30];
	v0 =	vand.u32 $0xFFFF0000, v14;
	v3 =	vshll.u32 v10, $0x10;
	v5 =	vand.u32 $0xFFFF0000, v10  }
0x6a: {  	v6 =	vand.u32 $0xFFFF0000, v15;
	v7 =	vshll.u32 v17, $0x10;
	v3 =	vadd.f32 v3, v12;
	v12 =	vld [tilespmem:s18+$0x7E00]  }
0x6b: {  	v13 =	vand.u32 $0xFFFF0000, v17;
	v0 =	vadd.f32 v0, v4;
	v5 =	vadd.f32 v5, v11;
	v11 =	vld [tilespmem:s18+$0x7E10]  }
0x6c: {  	v9 =	vld [tilespmem:s18+$0x7E20];
	v4 =	vshll.u32 v15, $0x10;
	v6 =	vadd.f32 v6, v8;
	v7 =	vadd.f32 v7, v18  }
0x6d: {  	s17 =	simm.s32 $0x200;
	v8 =	vshll.u32 v14, $0x10;
	v10 =	vadd.f32 v4, v16;
	v4 =	vadd.f32 v13, v19  }
.LBB2_10:
0x6e: {  	s18 =	sshra.s32 s17, $0x2;
	p0 =	sne.s32 s17, $0x6700;
	s17 =	sadd.s32 $0x100, s17;
	v13 =	vand.u32 $0xFFFF0000, v1;
	v2 =	vadd.f32 v8, v2;
	v8 =	vshll.u32 v1, $0x10  }
.Ltmp4:
0x6f: {  	v1 =	vld [tilespmem:s18+$0x7E30];
	v14 =	vshll.u32 v12, $0x10;
	v15 =	vand.u32 $0xFFFF0000, v12;
	v0 =	vadd.f32 v13, v0;
	(pc) =	sbr.rel @p0 .LBB2_10-.Ltmp4, $4  }
0x70: {  	v12 =	vld [tilespmem:s18+$0x7E00];
	v3 =	vadd.f32 v14, v3;
	v13 =	vshll.u32 v11, $0x10;
	v14 =	vand.u32 $0xFFFF0000, v11  }
0x71: {  	v5 =	vadd.f32 v15, v5;
	v11 =	vld [tilespmem:s18+$0x7E10];
	v15 =	vshll.u32 v9, $0x10;
	v16 =	vand.u32 $0xFFFF0000, v9  }
0x72: {  	v10 =	vadd.f32 v13, v10;
	v6 =	vadd.f32 v14, v6;
	v9 =	vld [tilespmem:s18+$0x7E20]  }
0x73: {  	v7 =	vadd.f32 v15, v7;
	v4 =	vadd.f32 v16, v4  }
0x74: {  	v63 =	vand.u32 $0xFFFF0000, v1  }
0x75: {  	v13 =	vshll.u32 v12, $0x10;
	v0 =	vadd.f32 v63, v0  }
0x76: {  	v2 =	vadd.f32 v8, v2;
	v57 =	vand.u32 $0xFFFF0000, v12;
	v3 =	vadd.f32 v13, v3  }
0x77: {  	v62 =	vshll.u32 v1, $0x10;
	v5 =	vadd.f32 v57, v5;
	[tilespmem:$0xD7F0] =	vst v0  }
0x78: {  	v58 =	vshll.u32 v11, $0x10;
	v2 =	vadd.f32 v62, v2;
	[tilespmem:$0xD780] =	vst v3  }
0x79: {  	v59 =	vand.u32 $0xFFFF0000, v11;
	v10 =	vadd.f32 v58, v10;
	[tilespmem:$0xD790] =	vst v5  }
0x7a: {  	v60 =	vshll.u32 v9, $0x10;
	v6 =	vadd.f32 v59, v6;
	[tilespmem:$0xD7E0] =	vst v2  }
0x7b: {  	v61 =	vand.u32 $0xFFFF0000, v9;
	v3 =	vadd.f32 v60, v7;
	[tilespmem:$0xD7A0] =	vst v10  }
0x7c: {  	s16 =	sadd.s32 $0x1, s16;
	v4 =	vadd.f32 v61, v4;
	[tilespmem:$0xD7B0] =	vst v6  }
0x7d: {  	p0 =	sne.s32 s16, s6;
	[tilespmem:$0xD7C0] =	vst v3  }
.Ltmp5:
0x7e: {  	[tilespmem:$0xD7D0] =	vst v4;
	(pc) =	sbr.rel @p0 .LBB2_1-.Ltmp5, $4  }
0x7f: {  	[hbm4b:s5+s2] =	stream.linear.scatter [tilespmem:s15], [sflag:$0x3], $0x4000, $0x38;
	[tilespmem:$0xD800] =	vst v63  }
0x80: {  	_ =	swait.ge [sflag:s7], $0x4000  }
0x81: {  	[sflag:s7] =	ssyncset.done $0x0  }
0x82: {  	[sflag:s7] =	ssyncadd.s32 $0xFFFFC000  }
0x83: {  	_ =	sfence.sel $0x180000  }
0x84: {  	[bflag:$0x0] =	sbarrier.arrive $0xFFFF  }
0x85: {  	p0 =	sne.s32 s0, $0x0;
	_ =	strace $0x90000047  }
0x86: {  	s0 =	sadd.s32 @!p0 $0x100000, s1;
	[bflag:$0x2] =	sbarrier.arrive $0xFFFF  }
0x87: {  	[sflag:s0] =	ssyncadd.tile.s32 @!p0 $0x1;
	_ =	shalt  }
.Lfunc_end2:
_tile_overlayer_lowered:
.L_overlay_start_2:
0x88: {  	(tag) =	ssettag $0x2  }
0x89: {  	s0 =	rddreg [dreg:$0x0];
	s2 =	stileid.u32  }
0x8a: {  	s1 =	rddreg [dreg:$0x1];
	p0 =	sne.s32 s2, $0x0  }
0x8b: {  	s3 =	rddreg [dreg:$0x2];
	[bflag:$0x3] =	sbarrier.arrive $0xFFFF;
	s2 =	simm.s32 @!p0 $0x1C03  }
0x8c: {  	[timem:s3], [sflag:s2] =	dma.local @!p0 [hbm:s0], s1  }
0x8d: {  	s0 =	simm.s32 @!p0 $0x3  }
0x8e: {  	_ =	swait.ge @!p0 [sflag:s0], s1  }
0x8f: {  	s1 =	ssub.s32 @!p0 $0x0, s1;
	[sflag:s0] =	ssyncset.done @!p0 $0x0  }
0x90: {  	[sflag:s0] =	ssyncadd.s32 @!p0 s1  }
0x91: {  	[bflag:$0x3] =	sbarrier.arrive $0xFFFF  }
0x92: {  	_ =	shalt  }

</sc_bundles>
